<compile_context>
chip_gen: v7x
topology: tpu7x:2x2x1
jax: 0.10.2.dev20260603
libtpu: 0.0.44.dev20260713+nightly
codegen_flags: <defaults>
</compile_context>

<pallas_src>
import functools

import jax
import jax.numpy as jnp
from jax import lax
from jax.experimental import pallas as pl
from jax.experimental.pallas import tpu as pltpu
from jax.experimental.pallas import tpu_sc as plsc

N_CLS = 1024
CTX_LEN = 77
VOCAB = 49408
CTX_DIM = 512

NW = 32
CLS_PER_W = N_CLS // NW
IDS_PER_W = CTX_LEN * CLS_PER_W

SLABS = (2, 2, 1, 1, 1)
CYCLE = sum(SLABS)
NCYC = CTX_LEN // CYCLE
OFFS = (0, 2, 4, 5, 6)

_mesh = plsc.VectorSubcoreMesh(core_axis_name="c", subcore_axis_name="s")


@functools.partial(
    pl.kernel,
    out_type=jax.ShapeDtypeStruct((CTX_LEN, N_CLS, CTX_DIM), jnp.float32),
    mesh=_mesh,
    scratch_types=[
        pltpu.VMEM((IDS_PER_W,), jnp.int32),
        pltpu.VMEM((SLABS[0], CLS_PER_W, CTX_DIM), jnp.float32),
        pltpu.VMEM((SLABS[1], CLS_PER_W, CTX_DIM), jnp.float32),
        pltpu.VMEM((SLABS[2], CLS_PER_W, CTX_DIM), jnp.float32),
        pltpu.VMEM((SLABS[3], CLS_PER_W, CTX_DIM), jnp.float32),
        pltpu.VMEM((SLABS[4], CLS_PER_W, CTX_DIM), jnp.float32),
        pltpu.SemaphoreType.DMA,
        pltpu.SemaphoreType.DMA,
        pltpu.SemaphoreType.DMA,
        pltpu.SemaphoreType.DMA,
        pltpu.SemaphoreType.DMA,
        pltpu.SemaphoreType.DMA,
        pltpu.SemaphoreType.DMA,
        pltpu.SemaphoreType.DMA,
        pltpu.SemaphoreType.DMA,
        pltpu.SemaphoreType.DMA,
    ],
)
def _gather(idx_hbm, table_hbm, out_hbm, idx_v, buf0, buf1, buf2, buf3, buf4,
            sg0, sg1, sg2, sg3, sg4, sw0, sw1, sw2, sw3, sw4):
    wid = lax.axis_index("s") * 2 + lax.axis_index("c")
    base = pl.multiple_of(wid * CLS_PER_W, CLS_PER_W)

    pltpu.sync_copy(idx_hbm.at[pl.ds(wid * IDS_PER_W, IDS_PER_W)], idx_v)

    def start_gathers(t0, n, buf, sem):
        for j in range(n):
            off = pl.multiple_of((t0 + j) * CLS_PER_W, CLS_PER_W)
            pltpu.async_copy(
                table_hbm.at[idx_v.at[pl.ds(off, CLS_PER_W)]], buf.at[j], sem)

    def wait_gathers(n, buf, sem):
        for j in range(n):
            pltpu.make_async_copy(
                table_hbm.at[idx_v.at[pl.ds(0, CLS_PER_W)]], buf.at[j], sem).wait()

    def start_write(t0, n, buf, sem):
        return pltpu.async_copy(
            buf, out_hbm.at[pl.ds(t0, n), pl.ds(base, CLS_PER_W)], sem)

    def wait_write(n, buf, sem):
        pltpu.make_async_copy(
            buf, out_hbm.at[pl.ds(0, n), pl.ds(base, CLS_PER_W)], sem).wait()

    lanes = ((buf0, sg0, sw0), (buf1, sg1, sw1), (buf2, sg2, sw2), (buf3, sg3, sw3), (buf4, sg4, sw4))

    for k in range(len(SLABS)):
        buf, sg, _ = lanes[k]
        start_gathers(OFFS[k], SLABS[k], buf, sg)

    @pl.loop(0, NCYC - 1)
    def _steady(i):
        t0 = i * CYCLE
        for k in range(len(SLABS)):
            buf, sg, sw = lanes[k]
            wait_gathers(SLABS[k], buf, sg)
            start_write(t0 + OFFS[k], SLABS[k], buf, sw)
            wait_write(SLABS[k], buf, sw)
            start_gathers(t0 + CYCLE + OFFS[k], SLABS[k], buf, sg)

    last = (NCYC - 1) * CYCLE
    for k in range(len(SLABS)):
        buf, sg, sw = lanes[k]
        wait_gathers(SLABS[k], buf, sg)
        start_write(last + OFFS[k], SLABS[k], buf, sw)
    for k in range(len(SLABS)):
        buf, _, sw = lanes[k]
        wait_write(SLABS[k], buf, sw)


def kernel(tokenized_prompts, token_embedding):
    idx = (tokenized_prompts.T.reshape(CTX_LEN, NW, CLS_PER_W)
           .transpose(1, 0, 2).reshape(NW * IDS_PER_W))
    out = _gather(idx, token_embedding)
    return out.transpose(1, 0, 2)

# --- scband reference (transcript-rebuilt; emitter-appended) ---
"""Pipeline reference for scband-tokenized-prompt-86878598464313 (READ-ONLY COPY).

The authoritative reference and input builder live on the scoring server;
editing this copy changes nothing except your own understanding.
"""

import jax, jax.numpy as jnp
import numpy as np

N_CLS = 1024
CTX_LEN = 77
VOCAB = 49408
CTX_DIM = 512

def setup_inputs(seed: int = 0) -> dict:
    key = jax.random.key(seed)
    k1, k2 = jax.random.split(key)
    # stand-in for clip.tokenize(...) output: int token ids in [0, VOCAB)
    tokenized_prompts = jax.random.randint(k1, (N_CLS, CTX_LEN), 0, VOCAB, dtype=jnp.int32)
    # learned parameter: clip_model.token_embedding weight table [VOCAB, CTX_DIM]
    token_embedding = jax.random.normal(k2, (VOCAB, CTX_DIM), dtype=jnp.float32) * 0.02
    return {"tokenized_prompts": tokenized_prompts, "token_embedding": token_embedding}

def reference(tokenized_prompts, token_embedding):
    # Faithful core op of TokenizedPrompt.forward: clip_model.token_embedding(prompt)
    # i.e., an embedding-table gather over tokenized prompt ids.
    embedding = jnp.take(token_embedding, tokenized_prompts, axis=0)  # [N_CLS, CTX_LEN, CTX_DIM]
    return embedding

if __name__ == "__main__":
    import jax
    _d = setup_inputs()
    print(jax.jit(kernel)(*tuple(_d.values())))

</pallas_src>

<mosaic_0001>
#map = affine_map<(d0, d1) -> (0)>
#map1 = affine_map<(d0, d1) -> (0, 0)>
#map2 = affine_map<(d0, d1) -> (0, 0, 0)>
module attributes {stable_mosaic.version = 14 : i64} {
  func.func @_gather(%arg0: i32, %arg1: i32, %arg2: memref<78848xi32, #tpu.memory_space<hbm>>, %arg3: memref<49408x512xf32, #tpu.memory_space<hbm>>, %arg4: memref<77x1024x512xf32, #tpu.memory_space<hbm>>, %arg5: memref<2464xi32, #tpu.memory_space<vmem>>, %arg6: memref<2x32x512xf32, #tpu.memory_space<vmem>>, %arg7: memref<2x32x512xf32, #tpu.memory_space<vmem>>, %arg8: memref<1x32x512xf32, #tpu.memory_space<vmem>>, %arg9: memref<1x32x512xf32, #tpu.memory_space<vmem>>, %arg10: memref<1x32x512xf32, #tpu.memory_space<vmem>>, %arg11: memref<!tpu.dma_semaphore, #tpu.memory_space<semaphore_mem>>, %arg12: memref<!tpu.dma_semaphore, #tpu.memory_space<semaphore_mem>>, %arg13: memref<!tpu.dma_semaphore, #tpu.memory_space<semaphore_mem>>, %arg14: memref<!tpu.dma_semaphore, #tpu.memory_space<semaphore_mem>>, %arg15: memref<!tpu.dma_semaphore, #tpu.memory_space<semaphore_mem>>, %arg16: memref<!tpu.dma_semaphore, #tpu.memory_space<semaphore_mem>>, %arg17: memref<!tpu.dma_semaphore, #tpu.memory_space<semaphore_mem>>, %arg18: memref<!tpu.dma_semaphore, #tpu.memory_space<semaphore_mem>>, %arg19: memref<!tpu.dma_semaphore, #tpu.memory_space<semaphore_mem>>, %arg20: memref<!tpu.dma_semaphore, #tpu.memory_space<semaphore_mem>>) attributes {dimension_semantics = [#tpu.dimension_semantics<core_parallel>, #tpu.dimension_semantics<subcore_parallel>], iteration_bounds = array<i64: 2, 16>, scalar_prefetch = 0 : i64, scratch_operands = 16 : i64, tpu.core_type = #tpu.core_type<sc_vector_subcore>, window_params = [{transform_indices = #map}, {transform_indices = #map1}, {transform_indices = #map2}]} {
    %mul3A = arith.constant 2 : i32
    %mul3A_0 = arith.muli %arg1, %mul3A : i32
    %add3A = arith.addi %mul3A_0, %arg0 : i32
    %mul3A_1 = arith.constant 32 : i32
    %mul3A_2 = arith.muli %add3A, %mul3A_1 : i32
    %multiple_of3A = tpu.assume_multiple %mul3A_2, 32 : i32
    %mul3A_3 = arith.constant 2464 : i32
    %mul3A_4 = arith.muli %add3A, %mul3A_3 : i32
    "tpu.region"() ({
      %run_scoped3A = tpu.sem_alloc : memref<!tpu.dma_semaphore, #tpu.memory_space<semaphore_mem>>
      %dma_start3A_214 = tpu.memref_slice %arg2[%mul3A_4] : memref<78848xi32, #tpu.memory_space<hbm>> -> memref<2464xi32, #tpu.memory_space<hbm>>
      %dma_start3A_215 = tpu.memref_slice %arg2[%mul3A_4] : memref<78848xi32, #tpu.memory_space<hbm>> -> memref<2464xi32, #tpu.memory_space<hbm>>
      tpu.enqueue_dma source(%dma_start3A_215 : memref<2464xi32, #tpu.memory_space<hbm>>) target(%arg5 : memref<2464xi32, #tpu.memory_space<vmem>>) target_semaphore(%run_scoped3A : memref<!tpu.dma_semaphore, #tpu.memory_space<semaphore_mem>>)
      %dma_wait3A_216 = tpu.memref_slice %arg2[%mul3A_4] : memref<78848xi32, #tpu.memory_space<hbm>> -> memref<2464xi32, #tpu.memory_space<hbm>>
      %dma_wait3A_217 = tpu.memref_slice %arg2[%mul3A_4] : memref<78848xi32, #tpu.memory_space<hbm>> -> memref<2464xi32, #tpu.memory_space<hbm>>
      tpu.wait_dma2 semaphore(%run_scoped3A : memref<!tpu.dma_semaphore, #tpu.memory_space<semaphore_mem>>) src(%dma_wait3A_217 : memref<2464xi32, #tpu.memory_space<hbm>>) dst(%arg5 : memref<2464xi32, #tpu.memory_space<vmem>>)
      tpu.yield
    }) : () -> ()
    %multiple_of3A_5 = arith.constant 0 : i32
    %multiple_of3A_6 = tpu.assume_multiple %multiple_of3A_5, 32 : i32
    %dma_start3A = arith.constant 0 : i32
    %dma_start3A_7 = arith.constant 0 : i32
    %dma_start3A_8 = arith.constant 0 : i32
    %dma_start3A_9 = tpu.memref_slice %arg6[%dma_start3A, %dma_start3A_7, %dma_start3A_8] : memref<2x32x512xf32, #tpu.memory_space<vmem>> -> memref<1x32x512xf32, #tpu.memory_space<vmem>>
    %dma_start3A_10 = tpu.memref_squeeze %dma_start3A_9 : memref<1x32x512xf32, #tpu.memory_space<vmem>> -> memref<32x512xf32, #tpu.memory_space<vmem>>
    %dma_start3A_11 = tpu.memref_slice %arg5[%multiple_of3A_6] : memref<2464xi32, #tpu.memory_space<vmem>> -> memref<32xi32, #tpu.memory_space<vmem>>
    %dma_start3A_12 = arith.constant 0 : i32
    %dma_start3A_13 = arith.constant 0 : i32
    %dma_start3A_14 = tpu.memref_slice %arg3[%dma_start3A_12, %dma_start3A_13] : memref<49408x512xf32, #tpu.memory_space<hbm>> -> memref<49408x512xf32, #tpu.memory_space<hbm>>
    tpu.enqueue_indirect_dma source(%dma_start3A_14 : memref<49408x512xf32, #tpu.memory_space<hbm>>) target(%dma_start3A_10 : memref<32x512xf32, #tpu.memory_space<vmem>>) offsets(%dma_start3A_11 : memref<32xi32, #tpu.memory_space<vmem>>) semaphore(%arg11 : memref<!tpu.dma_semaphore, #tpu.memory_space<semaphore_mem>>)
    %multiple_of3A_15 = arith.constant 32 : i32
    %multiple_of3A_16 = tpu.assume_multiple %multiple_of3A_15, 32 : i32
    %dma_start3A_17 = arith.constant 1 : i32
    %dma_start3A_18 = arith.constant 0 : i32
    %dma_start3A_19 = arith.constant 0 : i32
    %dma_start3A_20 = tpu.memref_slice %arg6[%dma_start3A_17, %dma_start3A_18, %dma_start3A_19] : memref<2x32x512xf32, #tpu.memory_space<vmem>> -> memref<1x32x512xf32, #tpu.memory_space<vmem>>
    %dma_start3A_21 = tpu.memref_squeeze %dma_start3A_20 : memref<1x32x512xf32, #tpu.memory_space<vmem>> -> memref<32x512xf32, #tpu.memory_space<vmem>>
    %dma_start3A_22 = tpu.memref_slice %arg5[%multiple_of3A_16] : memref<2464xi32, #tpu.memory_space<vmem>> -> memref<32xi32, #tpu.memory_space<vmem>>
    %dma_start3A_23 = arith.constant 0 : i32
    %dma_start3A_24 = arith.constant 0 : i32
    %dma_start3A_25 = tpu.memref_slice %arg3[%dma_start3A_23, %dma_start3A_24] : memref<49408x512xf32, #tpu.memory_space<hbm>> -> memref<49408x512xf32, #tpu.memory_space<hbm>>
    tpu.enqueue_indirect_dma source(%dma_start3A_25 : memref<49408x512xf32, #tpu.memory_space<hbm>>) target(%dma_start3A_21 : memref<32x512xf32, #tpu.memory_space<vmem>>) offsets(%dma_start3A_22 : memref<32xi32, #tpu.memory_space<vmem>>) semaphore(%arg11 : memref<!tpu.dma_semaphore, #tpu.memory_space<semaphore_mem>>)
    %multiple_of3A_26 = arith.constant 64 : i32
    %multiple_of3A_27 = tpu.assume_multiple %multiple_of3A_26, 32 : i32
    %dma_start3A_28 = arith.constant 0 : i32
    %dma_start3A_29 = arith.constant 0 : i32
    %dma_start3A_30 = arith.constant 0 : i32
    %dma_start3A_31 = tpu.memref_slice %arg7[%dma_start3A_28, %dma_start3A_29, %dma_start3A_30] : memref<2x32x512xf32, #tpu.memory_space<vmem>> -> memref<1x32x512xf32, #tpu.memory_space<vmem>>
    %dma_start3A_32 = tpu.memref_squeeze %dma_start3A_31 : memref<1x32x512xf32, #tpu.memory_space<vmem>> -> memref<32x512xf32, #tpu.memory_space<vmem>>
    %dma_start3A_33 = tpu.memref_slice %arg5[%multiple_of3A_27] : memref<2464xi32, #tpu.memory_space<vmem>> -> memref<32xi32, #tpu.memory_space<vmem>>
    %dma_start3A_34 = arith.constant 0 : i32
    %dma_start3A_35 = arith.constant 0 : i32
    %dma_start3A_36 = tpu.memref_slice %arg3[%dma_start3A_34, %dma_start3A_35] : memref<49408x512xf32, #tpu.memory_space<hbm>> -> memref<49408x512xf32, #tpu.memory_space<hbm>>
    tpu.enqueue_indirect_dma source(%dma_start3A_36 : memref<49408x512xf32, #tpu.memory_space<hbm>>) target(%dma_start3A_32 : memref<32x512xf32, #tpu.memory_space<vmem>>) offsets(%dma_start3A_33 : memref<32xi32, #tpu.memory_space<vmem>>) semaphore(%arg12 : memref<!tpu.dma_semaphore, #tpu.memory_space<semaphore_mem>>)
    %multiple_of3A_37 = arith.constant 96 : i32
    %multiple_of3A_38 = tpu.assume_multiple %multiple_of3A_37, 32 : i32
    %dma_start3A_39 = arith.constant 1 : i32
    %dma_start3A_40 = arith.constant 0 : i32
    %dma_start3A_41 = arith.constant 0 : i32
    %dma_start3A_42 = tpu.memref_slice %arg7[%dma_start3A_39, %dma_start3A_40, %dma_start3A_41] : memref<2x32x512xf32, #tpu.memory_space<vmem>> -> memref<1x32x512xf32, #tpu.memory_space<vmem>>
    %dma_start3A_43 = tpu.memref_squeeze %dma_start3A_42 : memref<1x32x512xf32, #tpu.memory_space<vmem>> -> memref<32x512xf32, #tpu.memory_space<vmem>>
    %dma_start3A_44 = tpu.memref_slice %arg5[%multiple_of3A_38] : memref<2464xi32, #tpu.memory_space<vmem>> -> memref<32xi32, #tpu.memory_space<vmem>>
    %dma_start3A_45 = arith.constant 0 : i32
    %dma_start3A_46 = arith.constant 0 : i32
    %dma_start3A_47 = tpu.memref_slice %arg3[%dma_start3A_45, %dma_start3A_46] : memref<49408x512xf32, #tpu.memory_space<hbm>> -> memref<49408x512xf32, #tpu.memory_space<hbm>>
    tpu.enqueue_indirect_dma source(%dma_start3A_47 : memref<49408x512xf32, #tpu.memory_space<hbm>>) target(%dma_start3A_43 : memref<32x512xf32, #tpu.memory_space<vmem>>) offsets(%dma_start3A_44 : memref<32xi32, #tpu.memory_space<vmem>>) semaphore(%arg12 : memref<!tpu.dma_semaphore, #tpu.memory_space<semaphore_mem>>)
    %multiple_of3A_48 = arith.constant 128 : i32
    %multiple_of3A_49 = tpu.assume_multiple %multiple_of3A_48, 32 : i32
    %dma_start3A_50 = arith.constant 0 : i32
    %dma_start3A_51 = arith.constant 0 : i32
    %dma_start3A_52 = arith.constant 0 : i32
    %dma_start3A_53 = tpu.memref_slice %arg8[%dma_start3A_50, %dma_start3A_51, %dma_start3A_52] : memref<1x32x512xf32, #tpu.memory_space<vmem>> -> memref<1x32x512xf32, #tpu.memory_space<vmem>>
    %dma_start3A_54 = tpu.memref_squeeze %dma_start3A_53 : memref<1x32x512xf32, #tpu.memory_space<vmem>> -> memref<32x512xf32, #tpu.memory_space<vmem>>
    %dma_start3A_55 = tpu.memref_slice %arg5[%multiple_of3A_49] : memref<2464xi32, #tpu.memory_space<vmem>> -> memref<32xi32, #tpu.memory_space<vmem>>
    %dma_start3A_56 = arith.constant 0 : i32
    %dma_start3A_57 = arith.constant 0 : i32
    %dma_start3A_58 = tpu.memref_slice %arg3[%dma_start3A_56, %dma_start3A_57] : memref<49408x512xf32, #tpu.memory_space<hbm>> -> memref<49408x512xf32, #tpu.memory_space<hbm>>
    tpu.enqueue_indirect_dma source(%dma_start3A_58 : memref<49408x512xf32, #tpu.memory_space<hbm>>) target(%dma_start3A_54 : memref<32x512xf32, #tpu.memory_space<vmem>>) offsets(%dma_start3A_55 : memref<32xi32, #tpu.memory_space<vmem>>) semaphore(%arg13 : memref<!tpu.dma_semaphore, #tpu.memory_space<semaphore_mem>>)
    %multiple_of3A_59 = arith.constant 160 : i32
    %multiple_of3A_60 = tpu.assume_multiple %multiple_of3A_59, 32 : i32
    %dma_start3A_61 = arith.constant 0 : i32
    %dma_start3A_62 = arith.constant 0 : i32
    %dma_start3A_63 = arith.constant 0 : i32
    %dma_start3A_64 = tpu.memref_slice %arg9[%dma_start3A_61, %dma_start3A_62, %dma_start3A_63] : memref<1x32x512xf32, #tpu.memory_space<vmem>> -> memref<1x32x512xf32, #tpu.memory_space<vmem>>
    %dma_start3A_65 = tpu.memref_squeeze %dma_start3A_64 : memref<1x32x512xf32, #tpu.memory_space<vmem>> -> memref<32x512xf32, #tpu.memory_space<vmem>>
    %dma_start3A_66 = tpu.memref_slice %arg5[%multiple_of3A_60] : memref<2464xi32, #tpu.memory_space<vmem>> -> memref<32xi32, #tpu.memory_space<vmem>>
    %dma_start3A_67 = arith.constant 0 : i32
    %dma_start3A_68 = arith.constant 0 : i32
    %dma_start3A_69 = tpu.memref_slice %arg3[%dma_start3A_67, %dma_start3A_68] : memref<49408x512xf32, #tpu.memory_space<hbm>> -> memref<49408x512xf32, #tpu.memory_space<hbm>>
    tpu.enqueue_indirect_dma source(%dma_start3A_69 : memref<49408x512xf32, #tpu.memory_space<hbm>>) target(%dma_start3A_65 : memref<32x512xf32, #tpu.memory_space<vmem>>) offsets(%dma_start3A_66 : memref<32xi32, #tpu.memory_space<vmem>>) semaphore(%arg14 : memref<!tpu.dma_semaphore, #tpu.memory_space<semaphore_mem>>)
    %multiple_of3A_70 = arith.constant 192 : i32
    %multiple_of3A_71 = tpu.assume_multiple %multiple_of3A_70, 32 : i32
    %dma_start3A_72 = arith.constant 0 : i32
    %dma_start3A_73 = arith.constant 0 : i32
    %dma_start3A_74 = arith.constant 0 : i32
    %dma_start3A_75 = tpu.memref_slice %arg10[%dma_start3A_72, %dma_start3A_73, %dma_start3A_74] : memref<1x32x512xf32, #tpu.memory_space<vmem>> -> memref<1x32x512xf32, #tpu.memory_space<vmem>>
    %dma_start3A_76 = tpu.memref_squeeze %dma_start3A_75 : memref<1x32x512xf32, #tpu.memory_space<vmem>> -> memref<32x512xf32, #tpu.memory_space<vmem>>
    %dma_start3A_77 = tpu.memref_slice %arg5[%multiple_of3A_71] : memref<2464xi32, #tpu.memory_space<vmem>> -> memref<32xi32, #tpu.memory_space<vmem>>
    %dma_start3A_78 = arith.constant 0 : i32
    %dma_start3A_79 = arith.constant 0 : i32
    %dma_start3A_80 = tpu.memref_slice %arg3[%dma_start3A_78, %dma_start3A_79] : memref<49408x512xf32, #tpu.memory_space<hbm>> -> memref<49408x512xf32, #tpu.memory_space<hbm>>
    tpu.enqueue_indirect_dma source(%dma_start3A_80 : memref<49408x512xf32, #tpu.memory_space<hbm>>) target(%dma_start3A_76 : memref<32x512xf32, #tpu.memory_space<vmem>>) offsets(%dma_start3A_77 : memref<32xi32, #tpu.memory_space<vmem>>) semaphore(%arg15 : memref<!tpu.dma_semaphore, #tpu.memory_space<semaphore_mem>>)
    %scan3A = arith.constant 0 : i32
    %scan3A_81 = arith.constant 10 : i32
    %scan3A_82 = arith.addi %scan3A, %scan3A_81 : i32
    %scan3A_83 = arith.constant 1 : i32
    scf.for %scan3A_214 = %scan3A to %scan3A_82 step %scan3A_83  : i32 {
      %mul3A_215 = arith.constant 1 : i32
      %mul3A_216 = arith.muli %scan3A_214, %mul3A_215 : i32
      %add3A_217 = arith.constant 0 : i32
      %add3A_218 = arith.addi %add3A_217, %mul3A_216 : i32
      %mul3A_219 = arith.constant 7 : i32
      %mul3A_220 = arith.muli %add3A_218, %mul3A_219 : i32
      %dma_wait3A_221 = arith.constant 0 : i32
      %dma_wait3A_222 = arith.constant 0 : i32
      %dma_wait3A_223 = arith.constant 0 : i32
      %dma_wait3A_224 = tpu.memref_slice %arg6[%dma_wait3A_221, %dma_wait3A_222, %dma_wait3A_223] : memref<2x32x512xf32, #tpu.memory_space<vmem>> -> memref<1x32x512xf32, #tpu.memory_space<vmem>>
      %dma_wait3A_225 = tpu.memref_squeeze %dma_wait3A_224 : memref<1x32x512xf32, #tpu.memory_space<vmem>> -> memref<32x512xf32, #tpu.memory_space<vmem>>
      %dma_wait3A_226 = arith.constant 0 : i32
      %dma_wait3A_227 = tpu.memref_slice %arg5[%dma_wait3A_226] : memref<2464xi32, #tpu.memory_space<vmem>> -> memref<32xi32, #tpu.memory_space<vmem>>
      %dma_wait3A_228 = arith.constant 0 : i32
      %dma_wait3A_229 = arith.constant 0 : i32
      %dma_wait3A_230 = tpu.memref_slice %arg3[%dma_wait3A_228, %dma_wait3A_229] : memref<49408x512xf32, #tpu.memory_space<hbm>> -> memref<49408x512xf32, #tpu.memory_space<hbm>>
      tpu.wait_indirect_dma semaphore(%arg11 : memref<!tpu.dma_semaphore, #tpu.memory_space<semaphore_mem>>) src(%dma_wait3A_230 : memref<49408x512xf32, #tpu.memory_space<hbm>>) dst(%dma_wait3A_225 : memref<32x512xf32, #tpu.memory_space<vmem>>)
      %dma_wait3A_231 = arith.constant 1 : i32
      %dma_wait3A_232 = arith.constant 0 : i32
      %dma_wait3A_233 = arith.constant 0 : i32
      %dma_wait3A_234 = tpu.memref_slice %arg6[%dma_wait3A_231, %dma_wait3A_232, %dma_wait3A_233] : memref<2x32x512xf32, #tpu.memory_space<vmem>> -> memref<1x32x512xf32, #tpu.memory_space<vmem>>
      %dma_wait3A_235 = tpu.memref_squeeze %dma_wait3A_234 : memref<1x32x512xf32, #tpu.memory_space<vmem>> -> memref<32x512xf32, #tpu.memory_space<vmem>>
      %dma_wait3A_236 = arith.constant 0 : i32
      %dma_wait3A_237 = tpu.memref_slice %arg5[%dma_wait3A_236] : memref<2464xi32, #tpu.memory_space<vmem>> -> memref<32xi32, #tpu.memory_space<vmem>>
      %dma_wait3A_238 = arith.constant 0 : i32
      %dma_wait3A_239 = arith.constant 0 : i32
      %dma_wait3A_240 = tpu.memref_slice %arg3[%dma_wait3A_238, %dma_wait3A_239] : memref<49408x512xf32, #tpu.memory_space<hbm>> -> memref<49408x512xf32, #tpu.memory_space<hbm>>
      tpu.wait_indirect_dma semaphore(%arg11 : memref<!tpu.dma_semaphore, #tpu.memory_space<semaphore_mem>>) src(%dma_wait3A_240 : memref<49408x512xf32, #tpu.memory_space<hbm>>) dst(%dma_wait3A_235 : memref<32x512xf32, #tpu.memory_space<vmem>>)
      %add3A_241 = arith.constant 0 : i32
      %add3A_242 = arith.addi %mul3A_220, %add3A_241 : i32
      %dma_start3A_243 = arith.constant 0 : i32
      %dma_start3A_244 = tpu.memref_slice %arg4[%add3A_242, %multiple_of3A, %dma_start3A_243] : memref<77x1024x512xf32, #tpu.memory_space<hbm>> -> memref<2x32x512xf32, #tpu.memory_space<hbm>>
      %dma_start3A_245 = arith.constant 0 : i32
      %dma_start3A_246 = tpu.memref_slice %arg4[%add3A_242, %multiple_of3A, %dma_start3A_245] : memref<77x1024x512xf32, #tpu.memory_space<hbm>> -> memref<2x32x512xf32, #tpu.memory_space<hbm>>
      tpu.enqueue_dma source(%arg6 : memref<2x32x512xf32, #tpu.memory_space<vmem>>) target(%dma_start3A_246 : memref<2x32x512xf32, #tpu.memory_space<hbm>>) target_semaphore(%arg16 : memref<!tpu.dma_semaphore, #tpu.memory_space<semaphore_mem>>)
      %dma_wait3A_247 = arith.constant 0 : i32
      %dma_wait3A_248 = arith.constant 0 : i32
      %dma_wait3A_249 = tpu.memref_slice %arg4[%dma_wait3A_247, %multiple_of3A, %dma_wait3A_248] : memref<77x1024x512xf32, #tpu.memory_space<hbm>> -> memref<2x32x512xf32, #tpu.memory_space<hbm>>
      %dma_wait3A_250 = arith.constant 0 : i32
      %dma_wait3A_251 = arith.constant 0 : i32
      %dma_wait3A_252 = tpu.memref_slice %arg4[%dma_wait3A_250, %multiple_of3A, %dma_wait3A_251] : memref<77x1024x512xf32, #tpu.memory_space<hbm>> -> memref<2x32x512xf32, #tpu.memory_space<hbm>>
      tpu.wait_dma2 semaphore(%arg16 : memref<!tpu.dma_semaphore, #tpu.memory_space<semaphore_mem>>) src(%arg6 : memref<2x32x512xf32, #tpu.memory_space<vmem>>) dst(%dma_wait3A_252 : memref<2x32x512xf32, #tpu.memory_space<hbm>>)
      %add3A_253 = arith.constant 7 : i32
      %add3A_254 = arith.addi %mul3A_220, %add3A_253 : i32
      %add3A_255 = arith.constant 0 : i32
      %add3A_256 = arith.addi %add3A_254, %add3A_255 : i32
      %add3A_257 = arith.constant 0 : i32
      %add3A_258 = arith.addi %add3A_256, %add3A_257 : i32
      %mul3A_259 = arith.constant 32 : i32
      %mul3A_260 = arith.muli %add3A_258, %mul3A_259 : i32
      %multiple_of3A_261 = tpu.assume_multiple %mul3A_260, 32 : i32
      %dma_start3A_262 = arith.constant 0 : i32
      %dma_start3A_263 = arith.constant 0 : i32
      %dma_start3A_264 = arith.constant 0 : i32
      %dma_start3A_265 = tpu.memref_slice %arg6[%dma_start3A_262, %dma_start3A_263, %dma_start3A_264] : memref<2x32x512xf32, #tpu.memory_space<vmem>> -> memref<1x32x512xf32, #tpu.memory_space<vmem>>
      %dma_start3A_266 = tpu.memref_squeeze %dma_start3A_265 : memref<1x32x512xf32, #tpu.memory_space<vmem>> -> memref<32x512xf32, #tpu.memory_space<vmem>>
      %dma_start3A_267 = tpu.memref_slice %arg5[%multiple_of3A_261] : memref<2464xi32, #tpu.memory_space<vmem>> -> memref<32xi32, #tpu.memory_space<vmem>>
      %dma_start3A_268 = arith.constant 0 : i32
      %dma_start3A_269 = arith.constant 0 : i32
      %dma_start3A_270 = tpu.memref_slice %arg3[%dma_start3A_268, %dma_start3A_269] : memref<49408x512xf32, #tpu.memory_space<hbm>> -> memref<49408x512xf32, #tpu.memory_space<hbm>>
      tpu.enqueue_indirect_dma source(%dma_start3A_270 : memref<49408x512xf32, #tpu.memory_space<hbm>>) target(%dma_start3A_266 : memref<32x512xf32, #tpu.memory_space<vmem>>) offsets(%dma_start3A_267 : memref<32xi32, #tpu.memory_space<vmem>>) semaphore(%arg11 : memref<!tpu.dma_semaphore, #tpu.memory_space<semaphore_mem>>)
      %add3A_271 = arith.constant 1 : i32
      %add3A_272 = arith.addi %add3A_256, %add3A_271 : i32
      %mul3A_273 = arith.constant 32 : i32
      %mul3A_274 = arith.muli %add3A_272, %mul3A_273 : i32
      %multiple_of3A_275 = tpu.assume_multiple %mul3A_274, 32 : i32
      %dma_start3A_276 = arith.constant 1 : i32
      %dma_start3A_277 = arith.constant 0 : i32
      %dma_start3A_278 = arith.constant 0 : i32
      %dma_start3A_279 = tpu.memref_slice %arg6[%dma_start3A_276, %dma_start3A_277, %dma_start3A_278] : memref<2x32x512xf32, #tpu.memory_space<vmem>> -> memref<1x32x512xf32, #tpu.memory_space<vmem>>
      %dma_start3A_280 = tpu.memref_squeeze %dma_start3A_279 : memref<1x32x512xf32, #tpu.memory_space<vmem>> -> memref<32x512xf32, #tpu.memory_space<vmem>>
      %dma_start3A_281 = tpu.memref_slice %arg5[%multiple_of3A_275] : memref<2464xi32, #tpu.memory_space<vmem>> -> memref<32xi32, #tpu.memory_space<vmem>>
      %dma_start3A_282 = arith.constant 0 : i32
      %dma_start3A_283 = arith.constant 0 : i32
      %dma_start3A_284 = tpu.memref_slice %arg3[%dma_start3A_282, %dma_start3A_283] : memref<49408x512xf32, #tpu.memory_space<hbm>> -> memref<49408x512xf32, #tpu.memory_space<hbm>>
      tpu.enqueue_indirect_dma source(%dma_start3A_284 : memref<49408x512xf32, #tpu.memory_space<hbm>>) target(%dma_start3A_280 : memref<32x512xf32, #tpu.memory_space<vmem>>) offsets(%dma_start3A_281 : memref<32xi32, #tpu.memory_space<vmem>>) semaphore(%arg11 : memref<!tpu.dma_semaphore, #tpu.memory_space<semaphore_mem>>)
      %dma_wait3A_285 = arith.constant 0 : i32
      %dma_wait3A_286 = arith.constant 0 : i32
      %dma_wait3A_287 = arith.constant 0 : i32
      %dma_wait3A_288 = tpu.memref_slice %arg7[%dma_wait3A_285, %dma_wait3A_286, %dma_wait3A_287] : memref<2x32x512xf32, #tpu.memory_space<vmem>> -> memref<1x32x512xf32, #tpu.memory_space<vmem>>
      %dma_wait3A_289 = tpu.memref_squeeze %dma_wait3A_288 : memref<1x32x512xf32, #tpu.memory_space<vmem>> -> memref<32x512xf32, #tpu.memory_space<vmem>>
      %dma_wait3A_290 = arith.constant 0 : i32
      %dma_wait3A_291 = tpu.memref_slice %arg5[%dma_wait3A_290] : memref<2464xi32, #tpu.memory_space<vmem>> -> memref<32xi32, #tpu.memory_space<vmem>>
      %dma_wait3A_292 = arith.constant 0 : i32
      %dma_wait3A_293 = arith.constant 0 : i32
      %dma_wait3A_294 = tpu.memref_slice %arg3[%dma_wait3A_292, %dma_wait3A_293] : memref<49408x512xf32, #tpu.memory_space<hbm>> -> memref<49408x512xf32, #tpu.memory_space<hbm>>
      tpu.wait_indirect_dma semaphore(%arg12 : memref<!tpu.dma_semaphore, #tpu.memory_space<semaphore_mem>>) src(%dma_wait3A_294 : memref<49408x512xf32, #tpu.memory_space<hbm>>) dst(%dma_wait3A_289 : memref<32x512xf32, #tpu.memory_space<vmem>>)
      %dma_wait3A_295 = arith.constant 1 : i32
      %dma_wait3A_296 = arith.constant 0 : i32
      %dma_wait3A_297 = arith.constant 0 : i32
      %dma_wait3A_298 = tpu.memref_slice %arg7[%dma_wait3A_295, %dma_wait3A_296, %dma_wait3A_297] : memref<2x32x512xf32, #tpu.memory_space<vmem>> -> memref<1x32x512xf32, #tpu.memory_space<vmem>>
      %dma_wait3A_299 = tpu.memref_squeeze %dma_wait3A_298 : memref<1x32x512xf32, #tpu.memory_space<vmem>> -> memref<32x512xf32, #tpu.memory_space<vmem>>
      %dma_wait3A_300 = arith.constant 0 : i32
      %dma_wait3A_301 = tpu.memref_slice %arg5[%dma_wait3A_300] : memref<2464xi32, #tpu.memory_space<vmem>> -> memref<32xi32, #tpu.memory_space<vmem>>
      %dma_wait3A_302 = arith.constant 0 : i32
      %dma_wait3A_303 = arith.constant 0 : i32
      %dma_wait3A_304 = tpu.memref_slice %arg3[%dma_wait3A_302, %dma_wait3A_303] : memref<49408x512xf32, #tpu.memory_space<hbm>> -> memref<49408x512xf32, #tpu.memory_space<hbm>>
      tpu.wait_indirect_dma semaphore(%arg12 : memref<!tpu.dma_semaphore, #tpu.memory_space<semaphore_mem>>) src(%dma_wait3A_304 : memref<49408x512xf32, #tpu.memory_space<hbm>>) dst(%dma_wait3A_299 : memref<32x512xf32, #tpu.memory_space<vmem>>)
      %add3A_305 = arith.constant 2 : i32
      %add3A_306 = arith.addi %mul3A_220, %add3A_305 : i32
      %dma_start3A_307 = arith.constant 0 : i32
      %dma_start3A_308 = tpu.memref_slice %arg4[%add3A_306, %multiple_of3A, %dma_start3A_307] : memref<77x1024x512xf32, #tpu.memory_space<hbm>> -> memref<2x32x512xf32, #tpu.memory_space<hbm>>
      %dma_start3A_309 = arith.constant 0 : i32
      %dma_start3A_310 = tpu.memref_slice %arg4[%add3A_306, %multiple_of3A, %dma_start3A_309] : memref<77x1024x512xf32, #tpu.memory_space<hbm>> -> memref<2x32x512xf32, #tpu.memory_space<hbm>>
      tpu.enqueue_dma source(%arg7 : memref<2x32x512xf32, #tpu.memory_space<vmem>>) target(%dma_start3A_310 : memref<2x32x512xf32, #tpu.memory_space<hbm>>) target_semaphore(%arg17 : memref<!tpu.dma_semaphore, #tpu.memory_space<semaphore_mem>>)
      %dma_wait3A_311 = arith.constant 0 : i32
      %dma_wait3A_312 = arith.constant 0 : i32
      %dma_wait3A_313 = tpu.memref_slice %arg4[%dma_wait3A_311, %multiple_of3A, %dma_wait3A_312] : memref<77x1024x512xf32, #tpu.memory_space<hbm>> -> memref<2x32x512xf32, #tpu.memory_space<hbm>>
      %dma_wait3A_314 = arith.constant 0 : i32
      %dma_wait3A_315 = arith.constant 0 : i32
      %dma_wait3A_316 = tpu.memref_slice %arg4[%dma_wait3A_314, %multiple_of3A, %dma_wait3A_315] : memref<77x1024x512xf32, #tpu.memory_space<hbm>> -> memref<2x32x512xf32, #tpu.memory_space<hbm>>
      tpu.wait_dma2 semaphore(%arg17 : memref<!tpu.dma_semaphore, #tpu.memory_space<semaphore_mem>>) src(%arg7 : memref<2x32x512xf32, #tpu.memory_space<vmem>>) dst(%dma_wait3A_316 : memref<2x32x512xf32, #tpu.memory_space<hbm>>)
      %add3A_317 = arith.constant 7 : i32
      %add3A_318 = arith.addi %mul3A_220, %add3A_317 : i32
      %add3A_319 = arith.constant 2 : i32
      %add3A_320 = arith.addi %add3A_318, %add3A_319 : i32
      %add3A_321 = arith.constant 0 : i32
      %add3A_322 = arith.addi %add3A_320, %add3A_321 : i32
      %mul3A_323 = arith.constant 32 : i32
      %mul3A_324 = arith.muli %add3A_322, %mul3A_323 : i32
      %multiple_of3A_325 = tpu.assume_multiple %mul3A_324, 32 : i32
      %dma_start3A_326 = arith.constant 0 : i32
      %dma_start3A_327 = arith.constant 0 : i32
      %dma_start3A_328 = arith.constant 0 : i32
      %dma_start3A_329 = tpu.memref_slice %arg7[%dma_start3A_326, %dma_start3A_327, %dma_start3A_328] : memref<2x32x512xf32, #tpu.memory_space<vmem>> -> memref<1x32x512xf32, #tpu.memory_space<vmem>>
      %dma_start3A_330 = tpu.memref_squeeze %dma_start3A_329 : memref<1x32x512xf32, #tpu.memory_space<vmem>> -> memref<32x512xf32, #tpu.memory_space<vmem>>
      %dma_start3A_331 = tpu.memref_slice %arg5[%multiple_of3A_325] : memref<2464xi32, #tpu.memory_space<vmem>> -> memref<32xi32, #tpu.memory_space<vmem>>
      %dma_start3A_332 = arith.constant 0 : i32
      %dma_start3A_333 = arith.constant 0 : i32
      %dma_start3A_334 = tpu.memref_slice %arg3[%dma_start3A_332, %dma_start3A_333] : memref<49408x512xf32, #tpu.memory_space<hbm>> -> memref<49408x512xf32, #tpu.memory_space<hbm>>
      tpu.enqueue_indirect_dma source(%dma_start3A_334 : memref<49408x512xf32, #tpu.memory_space<hbm>>) target(%dma_start3A_330 : memref<32x512xf32, #tpu.memory_space<vmem>>) offsets(%dma_start3A_331 : memref<32xi32, #tpu.memory_space<vmem>>) semaphore(%arg12 : memref<!tpu.dma_semaphore, #tpu.memory_space<semaphore_mem>>)
      %add3A_335 = arith.constant 1 : i32
      %add3A_336 = arith.addi %add3A_320, %add3A_335 : i32
      %mul3A_337 = arith.constant 32 : i32
      %mul3A_338 = arith.muli %add3A_336, %mul3A_337 : i32
      %multiple_of3A_339 = tpu.assume_multiple %mul3A_338, 32 : i32
      %dma_start3A_340 = arith.constant 1 : i32
      %dma_start3A_341 = arith.constant 0 : i32
      %dma_start3A_342 = arith.constant 0 : i32
      %dma_start3A_343 = tpu.memref_slice %arg7[%dma_start3A_340, %dma_start3A_341, %dma_start3A_342] : memref<2x32x512xf32, #tpu.memory_space<vmem>> -> memref<1x32x512xf32, #tpu.memory_space<vmem>>
      %dma_start3A_344 = tpu.memref_squeeze %dma_start3A_343 : memref<1x32x512xf32, #tpu.memory_space<vmem>> -> memref<32x512xf32, #tpu.memory_space<vmem>>
      %dma_start3A_345 = tpu.memref_slice %arg5[%multiple_of3A_339] : memref<2464xi32, #tpu.memory_space<vmem>> -> memref<32xi32, #tpu.memory_space<vmem>>
      %dma_start3A_346 = arith.constant 0 : i32
      %dma_start3A_347 = arith.constant 0 : i32
      %dma_start3A_348 = tpu.memref_slice %arg3[%dma_start3A_346, %dma_start3A_347] : memref<49408x512xf32, #tpu.memory_space<hbm>> -> memref<49408x512xf32, #tpu.memory_space<hbm>>
      tpu.enqueue_indirect_dma source(%dma_start3A_348 : memref<49408x512xf32, #tpu.memory_space<hbm>>) target(%dma_start3A_344 : memref<32x512xf32, #tpu.memory_space<vmem>>) offsets(%dma_start3A_345 : memref<32xi32, #tpu.memory_space<vmem>>) semaphore(%arg12 : memref<!tpu.dma_semaphore, #tpu.memory_space<semaphore_mem>>)
      %dma_wait3A_349 = arith.constant 0 : i32
      %dma_wait3A_350 = arith.constant 0 : i32
      %dma_wait3A_351 = arith.constant 0 : i32
      %dma_wait3A_352 = tpu.memref_slice %arg8[%dma_wait3A_349, %dma_wait3A_350, %dma_wait3A_351] : memref<1x32x512xf32, #tpu.memory_space<vmem>> -> memref<1x32x512xf32, #tpu.memory_space<vmem>>
      %dma_wait3A_353 = tpu.memref_squeeze %dma_wait3A_352 : memref<1x32x512xf32, #tpu.memory_space<vmem>> -> memref<32x512xf32, #tpu.memory_space<vmem>>
      %dma_wait3A_354 = arith.constant 0 : i32
      %dma_wait3A_355 = tpu.memref_slice %arg5[%dma_wait3A_354] : memref<2464xi32, #tpu.memory_space<vmem>> -> memref<32xi32, #tpu.memory_space<vmem>>
      %dma_wait3A_356 = arith.constant 0 : i32
      %dma_wait3A_357 = arith.constant 0 : i32
      %dma_wait3A_358 = tpu.memref_slice %arg3[%dma_wait3A_356, %dma_wait3A_357] : memref<49408x512xf32, #tpu.memory_space<hbm>> -> memref<49408x512xf32, #tpu.memory_space<hbm>>
      tpu.wait_indirect_dma semaphore(%arg13 : memref<!tpu.dma_semaphore, #tpu.memory_space<semaphore_mem>>) src(%dma_wait3A_358 : memref<49408x512xf32, #tpu.memory_space<hbm>>) dst(%dma_wait3A_353 : memref<32x512xf32, #tpu.memory_space<vmem>>)
      %add3A_359 = arith.constant 4 : i32
      %add3A_360 = arith.addi %mul3A_220, %add3A_359 : i32
      %dma_start3A_361 = arith.constant 0 : i32
      %dma_start3A_362 = tpu.memref_slice %arg4[%add3A_360, %multiple_of3A, %dma_start3A_361] : memref<77x1024x512xf32, #tpu.memory_space<hbm>> -> memref<1x32x512xf32, #tpu.memory_space<hbm>>
      %dma_start3A_363 = arith.constant 0 : i32
      %dma_start3A_364 = tpu.memref_slice %arg4[%add3A_360, %multiple_of3A, %dma_start3A_363] : memref<77x1024x512xf32, #tpu.memory_space<hbm>> -> memref<1x32x512xf32, #tpu.memory_space<hbm>>
      tpu.enqueue_dma source(%arg8 : memref<1x32x512xf32, #tpu.memory_space<vmem>>) target(%dma_start3A_364 : memref<1x32x512xf32, #tpu.memory_space<hbm>>) target_semaphore(%arg18 : memref<!tpu.dma_semaphore, #tpu.memory_space<semaphore_mem>>)
      %dma_wait3A_365 = arith.constant 0 : i32
      %dma_wait3A_366 = arith.constant 0 : i32
      %dma_wait3A_367 = tpu.memref_slice %arg4[%dma_wait3A_365, %multiple_of3A, %dma_wait3A_366] : memref<77x1024x512xf32, #tpu.memory_space<hbm>> -> memref<1x32x512xf32, #tpu.memory_space<hbm>>
      %dma_wait3A_368 = arith.constant 0 : i32
      %dma_wait3A_369 = arith.constant 0 : i32
      %dma_wait3A_370 = tpu.memref_slice %arg4[%dma_wait3A_368, %multiple_of3A, %dma_wait3A_369] : memref<77x1024x512xf32, #tpu.memory_space<hbm>> -> memref<1x32x512xf32, #tpu.memory_space<hbm>>
      tpu.wait_dma2 semaphore(%arg18 : memref<!tpu.dma_semaphore, #tpu.memory_space<semaphore_mem>>) src(%arg8 : memref<1x32x512xf32, #tpu.memory_space<vmem>>) dst(%dma_wait3A_370 : memref<1x32x512xf32, #tpu.memory_space<hbm>>)
      %add3A_371 = arith.constant 7 : i32
      %add3A_372 = arith.addi %mul3A_220, %add3A_371 : i32
      %add3A_373 = arith.constant 4 : i32
      %add3A_374 = arith.addi %add3A_372, %add3A_373 : i32
      %add3A_375 = arith.constant 0 : i32
      %add3A_376 = arith.addi %add3A_374, %add3A_375 : i32
      %mul3A_377 = arith.constant 32 : i32
      %mul3A_378 = arith.muli %add3A_376, %mul3A_377 : i32
      %multiple_of3A_379 = tpu.assume_multiple %mul3A_378, 32 : i32
      %dma_start3A_380 = arith.constant 0 : i32
      %dma_start3A_381 = arith.constant 0 : i32
      %dma_start3A_382 = arith.constant 0 : i32
      %dma_start3A_383 = tpu.memref_slice %arg8[%dma_start3A_380, %dma_start3A_381, %dma_start3A_382] : memref<1x32x512xf32, #tpu.memory_space<vmem>> -> memref<1x32x512xf32, #tpu.memory_space<vmem>>
      %dma_start3A_384 = tpu.memref_squeeze %dma_start3A_383 : memref<1x32x512xf32, #tpu.memory_space<vmem>> -> memref<32x512xf32, #tpu.memory_space<vmem>>
      %dma_start3A_385 = tpu.memref_slice %arg5[%multiple_of3A_379] : memref<2464xi32, #tpu.memory_space<vmem>> -> memref<32xi32, #tpu.memory_space<vmem>>
      %dma_start3A_386 = arith.constant 0 : i32
      %dma_start3A_387 = arith.constant 0 : i32
      %dma_start3A_388 = tpu.memref_slice %arg3[%dma_start3A_386, %dma_start3A_387] : memref<49408x512xf32, #tpu.memory_space<hbm>> -> memref<49408x512xf32, #tpu.memory_space<hbm>>
      tpu.enqueue_indirect_dma source(%dma_start3A_388 : memref<49408x512xf32, #tpu.memory_space<hbm>>) target(%dma_start3A_384 : memref<32x512xf32, #tpu.memory_space<vmem>>) offsets(%dma_start3A_385 : memref<32xi32, #tpu.memory_space<vmem>>) semaphore(%arg13 : memref<!tpu.dma_semaphore, #tpu.memory_space<semaphore_mem>>)
      %dma_wait3A_389 = arith.constant 0 : i32
      %dma_wait3A_390 = arith.constant 0 : i32
      %dma_wait3A_391 = arith.constant 0 : i32
      %dma_wait3A_392 = tpu.memref_slice %arg9[%dma_wait3A_389, %dma_wait3A_390, %dma_wait3A_391] : memref<1x32x512xf32, #tpu.memory_space<vmem>> -> memref<1x32x512xf32, #tpu.memory_space<vmem>>
      %dma_wait3A_393 = tpu.memref_squeeze %dma_wait3A_392 : memref<1x32x512xf32, #tpu.memory_space<vmem>> -> memref<32x512xf32, #tpu.memory_space<vmem>>
      %dma_wait3A_394 = arith.constant 0 : i32
      %dma_wait3A_395 = tpu.memref_slice %arg5[%dma_wait3A_394] : memref<2464xi32, #tpu.memory_space<vmem>> -> memref<32xi32, #tpu.memory_space<vmem>>
      %dma_wait3A_396 = arith.constant 0 : i32
      %dma_wait3A_397 = arith.constant 0 : i32
      %dma_wait3A_398 = tpu.memref_slice %arg3[%dma_wait3A_396, %dma_wait3A_397] : memref<49408x512xf32, #tpu.memory_space<hbm>> -> memref<49408x512xf32, #tpu.memory_space<hbm>>
      tpu.wait_indirect_dma semaphore(%arg14 : memref<!tpu.dma_semaphore, #tpu.memory_space<semaphore_mem>>) src(%dma_wait3A_398 : memref<49408x512xf32, #tpu.memory_space<hbm>>) dst(%dma_wait3A_393 : memref<32x512xf32, #tpu.memory_space<vmem>>)
      %add3A_399 = arith.constant 5 : i32
      %add3A_400 = arith.addi %mul3A_220, %add3A_399 : i32
      %dma_start3A_401 = arith.constant 0 : i32
      %dma_start3A_402 = tpu.memref_slice %arg4[%add3A_400, %multiple_of3A, %dma_start3A_401] : memref<77x1024x512xf32, #tpu.memory_space<hbm>> -> memref<1x32x512xf32, #tpu.memory_space<hbm>>
      %dma_start3A_403 = arith.constant 0 : i32
      %dma_start3A_404 = tpu.memref_slice %arg4[%add3A_400, %multiple_of3A, %dma_start3A_403] : memref<77x1024x512xf32, #tpu.memory_space<hbm>> -> memref<1x32x512xf32, #tpu.memory_space<hbm>>
      tpu.enqueue_dma source(%arg9 : memref<1x32x512xf32, #tpu.memory_space<vmem>>) target(%dma_start3A_404 : memref<1x32x512xf32, #tpu.memory_space<hbm>>) target_semaphore(%arg19 : memref<!tpu.dma_semaphore, #tpu.memory_space<semaphore_mem>>)
      %dma_wait3A_405 = arith.constant 0 : i32
      %dma_wait3A_406 = arith.constant 0 : i32
      %dma_wait3A_407 = tpu.memref_slice %arg4[%dma_wait3A_405, %multiple_of3A, %dma_wait3A_406] : memref<77x1024x512xf32, #tpu.memory_space<hbm>> -> memref<1x32x512xf32, #tpu.memory_space<hbm>>
      %dma_wait3A_408 = arith.constant 0 : i32
      %dma_wait3A_409 = arith.constant 0 : i32
      %dma_wait3A_410 = tpu.memref_slice %arg4[%dma_wait3A_408, %multiple_of3A, %dma_wait3A_409] : memref<77x1024x512xf32, #tpu.memory_space<hbm>> -> memref<1x32x512xf32, #tpu.memory_space<hbm>>
      tpu.wait_dma2 semaphore(%arg19 : memref<!tpu.dma_semaphore, #tpu.memory_space<semaphore_mem>>) src(%arg9 : memref<1x32x512xf32, #tpu.memory_space<vmem>>) dst(%dma_wait3A_410 : memref<1x32x512xf32, #tpu.memory_space<hbm>>)
      %add3A_411 = arith.constant 7 : i32
      %add3A_412 = arith.addi %mul3A_220, %add3A_411 : i32
      %add3A_413 = arith.constant 5 : i32
      %add3A_414 = arith.addi %add3A_412, %add3A_413 : i32
      %add3A_415 = arith.constant 0 : i32
      %add3A_416 = arith.addi %add3A_414, %add3A_415 : i32
      %mul3A_417 = arith.constant 32 : i32
      %mul3A_418 = arith.muli %add3A_416, %mul3A_417 : i32
      %multiple_of3A_419 = tpu.assume_multiple %mul3A_418, 32 : i32
      %dma_start3A_420 = arith.constant 0 : i32
      %dma_start3A_421 = arith.constant 0 : i32
      %dma_start3A_422 = arith.constant 0 : i32
      %dma_start3A_423 = tpu.memref_slice %arg9[%dma_start3A_420, %dma_start3A_421, %dma_start3A_422] : memref<1x32x512xf32, #tpu.memory_space<vmem>> -> memref<1x32x512xf32, #tpu.memory_space<vmem>>
      %dma_start3A_424 = tpu.memref_squeeze %dma_start3A_423 : memref<1x32x512xf32, #tpu.memory_space<vmem>> -> memref<32x512xf32, #tpu.memory_space<vmem>>
      %dma_start3A_425 = tpu.memref_slice %arg5[%multiple_of3A_419] : memref<2464xi32, #tpu.memory_space<vmem>> -> memref<32xi32, #tpu.memory_space<vmem>>
      %dma_start3A_426 = arith.constant 0 : i32
      %dma_start3A_427 = arith.constant 0 : i32
      %dma_start3A_428 = tpu.memref_slice %arg3[%dma_start3A_426, %dma_start3A_427] : memref<49408x512xf32, #tpu.memory_space<hbm>> -> memref<49408x512xf32, #tpu.memory_space<hbm>>
      tpu.enqueue_indirect_dma source(%dma_start3A_428 : memref<49408x512xf32, #tpu.memory_space<hbm>>) target(%dma_start3A_424 : memref<32x512xf32, #tpu.memory_space<vmem>>) offsets(%dma_start3A_425 : memref<32xi32, #tpu.memory_space<vmem>>) semaphore(%arg14 : memref<!tpu.dma_semaphore, #tpu.memory_space<semaphore_mem>>)
      %dma_wait3A_429 = arith.constant 0 : i32
      %dma_wait3A_430 = arith.constant 0 : i32
      %dma_wait3A_431 = arith.constant 0 : i32
      %dma_wait3A_432 = tpu.memref_slice %arg10[%dma_wait3A_429, %dma_wait3A_430, %dma_wait3A_431] : memref<1x32x512xf32, #tpu.memory_space<vmem>> -> memref<1x32x512xf32, #tpu.memory_space<vmem>>
      %dma_wait3A_433 = tpu.memref_squeeze %dma_wait3A_432 : memref<1x32x512xf32, #tpu.memory_space<vmem>> -> memref<32x512xf32, #tpu.memory_space<vmem>>
      %dma_wait3A_434 = arith.constant 0 : i32
      %dma_wait3A_435 = tpu.memref_slice %arg5[%dma_wait3A_434] : memref<2464xi32, #tpu.memory_space<vmem>> -> memref<32xi32, #tpu.memory_space<vmem>>
      %dma_wait3A_436 = arith.constant 0 : i32
      %dma_wait3A_437 = arith.constant 0 : i32
      %dma_wait3A_438 = tpu.memref_slice %arg3[%dma_wait3A_436, %dma_wait3A_437] : memref<49408x512xf32, #tpu.memory_space<hbm>> -> memref<49408x512xf32, #tpu.memory_space<hbm>>
      tpu.wait_indirect_dma semaphore(%arg15 : memref<!tpu.dma_semaphore, #tpu.memory_space<semaphore_mem>>) src(%dma_wait3A_438 : memref<49408x512xf32, #tpu.memory_space<hbm>>) dst(%dma_wait3A_433 : memref<32x512xf32, #tpu.memory_space<vmem>>)
      %add3A_439 = arith.constant 6 : i32
      %add3A_440 = arith.addi %mul3A_220, %add3A_439 : i32
      %dma_start3A_441 = arith.constant 0 : i32
      %dma_start3A_442 = tpu.memref_slice %arg4[%add3A_440, %multiple_of3A, %dma_start3A_441] : memref<77x1024x512xf32, #tpu.memory_space<hbm>> -> memref<1x32x512xf32, #tpu.memory_space<hbm>>
      %dma_start3A_443 = arith.constant 0 : i32
      %dma_start3A_444 = tpu.memref_slice %arg4[%add3A_440, %multiple_of3A, %dma_start3A_443] : memref<77x1024x512xf32, #tpu.memory_space<hbm>> -> memref<1x32x512xf32, #tpu.memory_space<hbm>>
      tpu.enqueue_dma source(%arg10 : memref<1x32x512xf32, #tpu.memory_space<vmem>>) target(%dma_start3A_444 : memref<1x32x512xf32, #tpu.memory_space<hbm>>) target_semaphore(%arg20 : memref<!tpu.dma_semaphore, #tpu.memory_space<semaphore_mem>>)
      %dma_wait3A_445 = arith.constant 0 : i32
      %dma_wait3A_446 = arith.constant 0 : i32
      %dma_wait3A_447 = tpu.memref_slice %arg4[%dma_wait3A_445, %multiple_of3A, %dma_wait3A_446] : memref<77x1024x512xf32, #tpu.memory_space<hbm>> -> memref<1x32x512xf32, #tpu.memory_space<hbm>>
      %dma_wait3A_448 = arith.constant 0 : i32
      %dma_wait3A_449 = arith.constant 0 : i32
      %dma_wait3A_450 = tpu.memref_slice %arg4[%dma_wait3A_448, %multiple_of3A, %dma_wait3A_449] : memref<77x1024x512xf32, #tpu.memory_space<hbm>> -> memref<1x32x512xf32, #tpu.memory_space<hbm>>
      tpu.wait_dma2 semaphore(%arg20 : memref<!tpu.dma_semaphore, #tpu.memory_space<semaphore_mem>>) src(%arg10 : memref<1x32x512xf32, #tpu.memory_space<vmem>>) dst(%dma_wait3A_450 : memref<1x32x512xf32, #tpu.memory_space<hbm>>)
      %add3A_451 = arith.constant 7 : i32
      %add3A_452 = arith.addi %mul3A_220, %add3A_451 : i32
      %add3A_453 = arith.constant 6 : i32
      %add3A_454 = arith.addi %add3A_452, %add3A_453 : i32
      %add3A_455 = arith.constant 0 : i32
      %add3A_456 = arith.addi %add3A_454, %add3A_455 : i32
      %mul3A_457 = arith.constant 32 : i32
      %mul3A_458 = arith.muli %add3A_456, %mul3A_457 : i32
      %multiple_of3A_459 = tpu.assume_multiple %mul3A_458, 32 : i32
      %dma_start3A_460 = arith.constant 0 : i32
      %dma_start3A_461 = arith.constant 0 : i32
      %dma_start3A_462 = arith.constant 0 : i32
      %dma_start3A_463 = tpu.memref_slice %arg10[%dma_start3A_460, %dma_start3A_461, %dma_start3A_462] : memref<1x32x512xf32, #tpu.memory_space<vmem>> -> memref<1x32x512xf32, #tpu.memory_space<vmem>>
      %dma_start3A_464 = tpu.memref_squeeze %dma_start3A_463 : memref<1x32x512xf32, #tpu.memory_space<vmem>> -> memref<32x512xf32, #tpu.memory_space<vmem>>
      %dma_start3A_465 = tpu.memref_slice %arg5[%multiple_of3A_459] : memref<2464xi32, #tpu.memory_space<vmem>> -> memref<32xi32, #tpu.memory_space<vmem>>
      %dma_start3A_466 = arith.constant 0 : i32
      %dma_start3A_467 = arith.constant 0 : i32
      %dma_start3A_468 = tpu.memref_slice %arg3[%dma_start3A_466, %dma_start3A_467] : memref<49408x512xf32, #tpu.memory_space<hbm>> -> memref<49408x512xf32, #tpu.memory_space<hbm>>
      tpu.enqueue_indirect_dma source(%dma_start3A_468 : memref<49408x512xf32, #tpu.memory_space<hbm>>) target(%dma_start3A_464 : memref<32x512xf32, #tpu.memory_space<vmem>>) offsets(%dma_start3A_465 : memref<32xi32, #tpu.memory_space<vmem>>) semaphore(%arg15 : memref<!tpu.dma_semaphore, #tpu.memory_space<semaphore_mem>>)
    }
    %scan3A_84 = arith.constant 10 : i32
    %dma_wait3A = arith.constant 0 : i32
    %dma_wait3A_85 = arith.constant 0 : i32
    %dma_wait3A_86 = arith.constant 0 : i32
    %dma_wait3A_87 = tpu.memref_slice %arg6[%dma_wait3A, %dma_wait3A_85, %dma_wait3A_86] : memref<2x32x512xf32, #tpu.memory_space<vmem>> -> memref<1x32x512xf32, #tpu.memory_space<vmem>>
    %dma_wait3A_88 = tpu.memref_squeeze %dma_wait3A_87 : memref<1x32x512xf32, #tpu.memory_space<vmem>> -> memref<32x512xf32, #tpu.memory_space<vmem>>
    %dma_wait3A_89 = arith.constant 0 : i32
    %dma_wait3A_90 = tpu.memref_slice %arg5[%dma_wait3A_89] : memref<2464xi32, #tpu.memory_space<vmem>> -> memref<32xi32, #tpu.memory_space<vmem>>
    %dma_wait3A_91 = arith.constant 0 : i32
    %dma_wait3A_92 = arith.constant 0 : i32
    %dma_wait3A_93 = tpu.memref_slice %arg3[%dma_wait3A_91, %dma_wait3A_92] : memref<49408x512xf32, #tpu.memory_space<hbm>> -> memref<49408x512xf32, #tpu.memory_space<hbm>>
    tpu.wait_indirect_dma semaphore(%arg11 : memref<!tpu.dma_semaphore, #tpu.memory_space<semaphore_mem>>) src(%dma_wait3A_93 : memref<49408x512xf32, #tpu.memory_space<hbm>>) dst(%dma_wait3A_88 : memref<32x512xf32, #tpu.memory_space<vmem>>)
    %dma_wait3A_94 = arith.constant 1 : i32
    %dma_wait3A_95 = arith.constant 0 : i32
    %dma_wait3A_96 = arith.constant 0 : i32
    %dma_wait3A_97 = tpu.memref_slice %arg6[%dma_wait3A_94, %dma_wait3A_95, %dma_wait3A_96] : memref<2x32x512xf32, #tpu.memory_space<vmem>> -> memref<1x32x512xf32, #tpu.memory_space<vmem>>
    %dma_wait3A_98 = tpu.memref_squeeze %dma_wait3A_97 : memref<1x32x512xf32, #tpu.memory_space<vmem>> -> memref<32x512xf32, #tpu.memory_space<vmem>>
    %dma_wait3A_99 = arith.constant 0 : i32
    %dma_wait3A_100 = tpu.memref_slice %arg5[%dma_wait3A_99] : memref<2464xi32, #tpu.memory_space<vmem>> -> memref<32xi32, #tpu.memory_space<vmem>>
    %dma_wait3A_101 = arith.constant 0 : i32
    %dma_wait3A_102 = arith.constant 0 : i32
    %dma_wait3A_103 = tpu.memref_slice %arg3[%dma_wait3A_101, %dma_wait3A_102] : memref<49408x512xf32, #tpu.memory_space<hbm>> -> memref<49408x512xf32, #tpu.memory_space<hbm>>
    tpu.wait_indirect_dma semaphore(%arg11 : memref<!tpu.dma_semaphore, #tpu.memory_space<semaphore_mem>>) src(%dma_wait3A_103 : memref<49408x512xf32, #tpu.memory_space<hbm>>) dst(%dma_wait3A_98 : memref<32x512xf32, #tpu.memory_space<vmem>>)
    %dma_start3A_104 = arith.constant 70 : i32
    %dma_start3A_105 = arith.constant 0 : i32
    %dma_start3A_106 = tpu.memref_slice %arg4[%dma_start3A_104, %multiple_of3A, %dma_start3A_105] : memref<77x1024x512xf32, #tpu.memory_space<hbm>> -> memref<2x32x512xf32, #tpu.memory_space<hbm>>
    %dma_start3A_107 = arith.constant 70 : i32
    %dma_start3A_108 = arith.constant 0 : i32
    %dma_start3A_109 = tpu.memref_slice %arg4[%dma_start3A_107, %multiple_of3A, %dma_start3A_108] : memref<77x1024x512xf32, #tpu.memory_space<hbm>> -> memref<2x32x512xf32, #tpu.memory_space<hbm>>
    tpu.enqueue_dma source(%arg6 : memref<2x32x512xf32, #tpu.memory_space<vmem>>) target(%dma_start3A_109 : memref<2x32x512xf32, #tpu.memory_space<hbm>>) target_semaphore(%arg16 : memref<!tpu.dma_semaphore, #tpu.memory_space<semaphore_mem>>)
    %dma_wait3A_110 = arith.constant 0 : i32
    %dma_wait3A_111 = arith.constant 0 : i32
    %dma_wait3A_112 = arith.constant 0 : i32
    %dma_wait3A_113 = tpu.memref_slice %arg7[%dma_wait3A_110, %dma_wait3A_111, %dma_wait3A_112] : memref<2x32x512xf32, #tpu.memory_space<vmem>> -> memref<1x32x512xf32, #tpu.memory_space<vmem>>
    %dma_wait3A_114 = tpu.memref_squeeze %dma_wait3A_113 : memref<1x32x512xf32, #tpu.memory_space<vmem>> -> memref<32x512xf32, #tpu.memory_space<vmem>>
    %dma_wait3A_115 = arith.constant 0 : i32
    %dma_wait3A_116 = tpu.memref_slice %arg5[%dma_wait3A_115] : memref<2464xi32, #tpu.memory_space<vmem>> -> memref<32xi32, #tpu.memory_space<vmem>>
    %dma_wait3A_117 = arith.constant 0 : i32
    %dma_wait3A_118 = arith.constant 0 : i32
    %dma_wait3A_119 = tpu.memref_slice %arg3[%dma_wait3A_117, %dma_wait3A_118] : memref<49408x512xf32, #tpu.memory_space<hbm>> -> memref<49408x512xf32, #tpu.memory_space<hbm>>
    tpu.wait_indirect_dma semaphore(%arg12 : memref<!tpu.dma_semaphore, #tpu.memory_space<semaphore_mem>>) src(%dma_wait3A_119 : memref<49408x512xf32, #tpu.memory_space<hbm>>) dst(%dma_wait3A_114 : memref<32x512xf32, #tpu.memory_space<vmem>>)
    %dma_wait3A_120 = arith.constant 1 : i32
    %dma_wait3A_121 = arith.constant 0 : i32
    %dma_wait3A_122 = arith.constant 0 : i32
    %dma_wait3A_123 = tpu.memref_slice %arg7[%dma_wait3A_120, %dma_wait3A_121, %dma_wait3A_122] : memref<2x32x512xf32, #tpu.memory_space<vmem>> -> memref<1x32x512xf32, #tpu.memory_space<vmem>>
    %dma_wait3A_124 = tpu.memref_squeeze %dma_wait3A_123 : memref<1x32x512xf32, #tpu.memory_space<vmem>> -> memref<32x512xf32, #tpu.memory_space<vmem>>
    %dma_wait3A_125 = arith.constant 0 : i32
    %dma_wait3A_126 = tpu.memref_slice %arg5[%dma_wait3A_125] : memref<2464xi32, #tpu.memory_space<vmem>> -> memref<32xi32, #tpu.memory_space<vmem>>
    %dma_wait3A_127 = arith.constant 0 : i32
    %dma_wait3A_128 = arith.constant 0 : i32
    %dma_wait3A_129 = tpu.memref_slice %arg3[%dma_wait3A_127, %dma_wait3A_128] : memref<49408x512xf32, #tpu.memory_space<hbm>> -> memref<49408x512xf32, #tpu.memory_space<hbm>>
    tpu.wait_indirect_dma semaphore(%arg12 : memref<!tpu.dma_semaphore, #tpu.memory_space<semaphore_mem>>) src(%dma_wait3A_129 : memref<49408x512xf32, #tpu.memory_space<hbm>>) dst(%dma_wait3A_124 : memref<32x512xf32, #tpu.memory_space<vmem>>)
    %dma_start3A_130 = arith.constant 72 : i32
    %dma_start3A_131 = arith.constant 0 : i32
    %dma_start3A_132 = tpu.memref_slice %arg4[%dma_start3A_130, %multiple_of3A, %dma_start3A_131] : memref<77x1024x512xf32, #tpu.memory_space<hbm>> -> memref<2x32x512xf32, #tpu.memory_space<hbm>>
    %dma_start3A_133 = arith.constant 72 : i32
    %dma_start3A_134 = arith.constant 0 : i32
    %dma_start3A_135 = tpu.memref_slice %arg4[%dma_start3A_133, %multiple_of3A, %dma_start3A_134] : memref<77x1024x512xf32, #tpu.memory_space<hbm>> -> memref<2x32x512xf32, #tpu.memory_space<hbm>>
    tpu.enqueue_dma source(%arg7 : memref<2x32x512xf32, #tpu.memory_space<vmem>>) target(%dma_start3A_135 : memref<2x32x512xf32, #tpu.memory_space<hbm>>) target_semaphore(%arg17 : memref<!tpu.dma_semaphore, #tpu.memory_space<semaphore_mem>>)
    %dma_wait3A_136 = arith.constant 0 : i32
    %dma_wait3A_137 = arith.constant 0 : i32
    %dma_wait3A_138 = arith.constant 0 : i32
    %dma_wait3A_139 = tpu.memref_slice %arg8[%dma_wait3A_136, %dma_wait3A_137, %dma_wait3A_138] : memref<1x32x512xf32, #tpu.memory_space<vmem>> -> memref<1x32x512xf32, #tpu.memory_space<vmem>>
    %dma_wait3A_140 = tpu.memref_squeeze %dma_wait3A_139 : memref<1x32x512xf32, #tpu.memory_space<vmem>> -> memref<32x512xf32, #tpu.memory_space<vmem>>
    %dma_wait3A_141 = arith.constant 0 : i32
    %dma_wait3A_142 = tpu.memref_slice %arg5[%dma_wait3A_141] : memref<2464xi32, #tpu.memory_space<vmem>> -> memref<32xi32, #tpu.memory_space<vmem>>
    %dma_wait3A_143 = arith.constant 0 : i32
    %dma_wait3A_144 = arith.constant 0 : i32
    %dma_wait3A_145 = tpu.memref_slice %arg3[%dma_wait3A_143, %dma_wait3A_144] : memref<49408x512xf32, #tpu.memory_space<hbm>> -> memref<49408x512xf32, #tpu.memory_space<hbm>>
    tpu.wait_indirect_dma semaphore(%arg13 : memref<!tpu.dma_semaphore, #tpu.memory_space<semaphore_mem>>) src(%dma_wait3A_145 : memref<49408x512xf32, #tpu.memory_space<hbm>>) dst(%dma_wait3A_140 : memref<32x512xf32, #tpu.memory_space<vmem>>)
    %dma_start3A_146 = arith.constant 74 : i32
    %dma_start3A_147 = arith.constant 0 : i32
    %dma_start3A_148 = tpu.memref_slice %arg4[%dma_start3A_146, %multiple_of3A, %dma_start3A_147] : memref<77x1024x512xf32, #tpu.memory_space<hbm>> -> memref<1x32x512xf32, #tpu.memory_space<hbm>>
    %dma_start3A_149 = arith.constant 74 : i32
    %dma_start3A_150 = arith.constant 0 : i32
    %dma_start3A_151 = tpu.memref_slice %arg4[%dma_start3A_149, %multiple_of3A, %dma_start3A_150] : memref<77x1024x512xf32, #tpu.memory_space<hbm>> -> memref<1x32x512xf32, #tpu.memory_space<hbm>>
    tpu.enqueue_dma source(%arg8 : memref<1x32x512xf32, #tpu.memory_space<vmem>>) target(%dma_start3A_151 : memref<1x32x512xf32, #tpu.memory_space<hbm>>) target_semaphore(%arg18 : memref<!tpu.dma_semaphore, #tpu.memory_space<semaphore_mem>>)
    %dma_wait3A_152 = arith.constant 0 : i32
    %dma_wait3A_153 = arith.constant 0 : i32
    %dma_wait3A_154 = arith.constant 0 : i32
    %dma_wait3A_155 = tpu.memref_slice %arg9[%dma_wait3A_152, %dma_wait3A_153, %dma_wait3A_154] : memref<1x32x512xf32, #tpu.memory_space<vmem>> -> memref<1x32x512xf32, #tpu.memory_space<vmem>>
    %dma_wait3A_156 = tpu.memref_squeeze %dma_wait3A_155 : memref<1x32x512xf32, #tpu.memory_space<vmem>> -> memref<32x512xf32, #tpu.memory_space<vmem>>
    %dma_wait3A_157 = arith.constant 0 : i32
    %dma_wait3A_158 = tpu.memref_slice %arg5[%dma_wait3A_157] : memref<2464xi32, #tpu.memory_space<vmem>> -> memref<32xi32, #tpu.memory_space<vmem>>
    %dma_wait3A_159 = arith.constant 0 : i32
    %dma_wait3A_160 = arith.constant 0 : i32
    %dma_wait3A_161 = tpu.memref_slice %arg3[%dma_wait3A_159, %dma_wait3A_160] : memref<49408x512xf32, #tpu.memory_space<hbm>> -> memref<49408x512xf32, #tpu.memory_space<hbm>>
    tpu.wait_indirect_dma semaphore(%arg14 : memref<!tpu.dma_semaphore, #tpu.memory_space<semaphore_mem>>) src(%dma_wait3A_161 : memref<49408x512xf32, #tpu.memory_space<hbm>>) dst(%dma_wait3A_156 : memref<32x512xf32, #tpu.memory_space<vmem>>)
    %dma_start3A_162 = arith.constant 75 : i32
    %dma_start3A_163 = arith.constant 0 : i32
    %dma_start3A_164 = tpu.memref_slice %arg4[%dma_start3A_162, %multiple_of3A, %dma_start3A_163] : memref<77x1024x512xf32, #tpu.memory_space<hbm>> -> memref<1x32x512xf32, #tpu.memory_space<hbm>>
    %dma_start3A_165 = arith.constant 75 : i32
    %dma_start3A_166 = arith.constant 0 : i32
    %dma_start3A_167 = tpu.memref_slice %arg4[%dma_start3A_165, %multiple_of3A, %dma_start3A_166] : memref<77x1024x512xf32, #tpu.memory_space<hbm>> -> memref<1x32x512xf32, #tpu.memory_space<hbm>>
    tpu.enqueue_dma source(%arg9 : memref<1x32x512xf32, #tpu.memory_space<vmem>>) target(%dma_start3A_167 : memref<1x32x512xf32, #tpu.memory_space<hbm>>) target_semaphore(%arg19 : memref<!tpu.dma_semaphore, #tpu.memory_space<semaphore_mem>>)
    %dma_wait3A_168 = arith.constant 0 : i32
    %dma_wait3A_169 = arith.constant 0 : i32
    %dma_wait3A_170 = arith.constant 0 : i32
    %dma_wait3A_171 = tpu.memref_slice %arg10[%dma_wait3A_168, %dma_wait3A_169, %dma_wait3A_170] : memref<1x32x512xf32, #tpu.memory_space<vmem>> -> memref<1x32x512xf32, #tpu.memory_space<vmem>>
    %dma_wait3A_172 = tpu.memref_squeeze %dma_wait3A_171 : memref<1x32x512xf32, #tpu.memory_space<vmem>> -> memref<32x512xf32, #tpu.memory_space<vmem>>
    %dma_wait3A_173 = arith.constant 0 : i32
    %dma_wait3A_174 = tpu.memref_slice %arg5[%dma_wait3A_173] : memref<2464xi32, #tpu.memory_space<vmem>> -> memref<32xi32, #tpu.memory_space<vmem>>
    %dma_wait3A_175 = arith.constant 0 : i32
    %dma_wait3A_176 = arith.constant 0 : i32
    %dma_wait3A_177 = tpu.memref_slice %arg3[%dma_wait3A_175, %dma_wait3A_176] : memref<49408x512xf32, #tpu.memory_space<hbm>> -> memref<49408x512xf32, #tpu.memory_space<hbm>>
    tpu.wait_indirect_dma semaphore(%arg15 : memref<!tpu.dma_semaphore, #tpu.memory_space<semaphore_mem>>) src(%dma_wait3A_177 : memref<49408x512xf32, #tpu.memory_space<hbm>>) dst(%dma_wait3A_172 : memref<32x512xf32, #tpu.memory_space<vmem>>)
    %dma_start3A_178 = arith.constant 76 : i32
    %dma_start3A_179 = arith.constant 0 : i32
    %dma_start3A_180 = tpu.memref_slice %arg4[%dma_start3A_178, %multiple_of3A, %dma_start3A_179] : memref<77x1024x512xf32, #tpu.memory_space<hbm>> -> memref<1x32x512xf32, #tpu.memory_space<hbm>>
    %dma_start3A_181 = arith.constant 76 : i32
    %dma_start3A_182 = arith.constant 0 : i32
    %dma_start3A_183 = tpu.memref_slice %arg4[%dma_start3A_181, %multiple_of3A, %dma_start3A_182] : memref<77x1024x512xf32, #tpu.memory_space<hbm>> -> memref<1x32x512xf32, #tpu.memory_space<hbm>>
    tpu.enqueue_dma source(%arg10 : memref<1x32x512xf32, #tpu.memory_space<vmem>>) target(%dma_start3A_183 : memref<1x32x512xf32, #tpu.memory_space<hbm>>) target_semaphore(%arg20 : memref<!tpu.dma_semaphore, #tpu.memory_space<semaphore_mem>>)
    %dma_wait3A_184 = arith.constant 0 : i32
    %dma_wait3A_185 = arith.constant 0 : i32
    %dma_wait3A_186 = tpu.memref_slice %arg4[%dma_wait3A_184, %multiple_of3A, %dma_wait3A_185] : memref<77x1024x512xf32, #tpu.memory_space<hbm>> -> memref<2x32x512xf32, #tpu.memory_space<hbm>>
    %dma_wait3A_187 = arith.constant 0 : i32
    %dma_wait3A_188 = arith.constant 0 : i32
    %dma_wait3A_189 = tpu.memref_slice %arg4[%dma_wait3A_187, %multiple_of3A, %dma_wait3A_188] : memref<77x1024x512xf32, #tpu.memory_space<hbm>> -> memref<2x32x512xf32, #tpu.memory_space<hbm>>
    tpu.wait_dma2 semaphore(%arg16 : memref<!tpu.dma_semaphore, #tpu.memory_space<semaphore_mem>>) src(%arg6 : memref<2x32x512xf32, #tpu.memory_space<vmem>>) dst(%dma_wait3A_189 : memref<2x32x512xf32, #tpu.memory_space<hbm>>)
    %dma_wait3A_190 = arith.constant 0 : i32
    %dma_wait3A_191 = arith.constant 0 : i32
    %dma_wait3A_192 = tpu.memref_slice %arg4[%dma_wait3A_190, %multiple_of3A, %dma_wait3A_191] : memref<77x1024x512xf32, #tpu.memory_space<hbm>> -> memref<2x32x512xf32, #tpu.memory_space<hbm>>
    %dma_wait3A_193 = arith.constant 0 : i32
    %dma_wait3A_194 = arith.constant 0 : i32
    %dma_wait3A_195 = tpu.memref_slice %arg4[%dma_wait3A_193, %multiple_of3A, %dma_wait3A_194] : memref<77x1024x512xf32, #tpu.memory_space<hbm>> -> memref<2x32x512xf32, #tpu.memory_space<hbm>>
    tpu.wait_dma2 semaphore(%arg17 : memref<!tpu.dma_semaphore, #tpu.memory_space<semaphore_mem>>) src(%arg7 : memref<2x32x512xf32, #tpu.memory_space<vmem>>) dst(%dma_wait3A_195 : memref<2x32x512xf32, #tpu.memory_space<hbm>>)
    %dma_wait3A_196 = arith.constant 0 : i32
    %dma_wait3A_197 = arith.constant 0 : i32
    %dma_wait3A_198 = tpu.memref_slice %arg4[%dma_wait3A_196, %multiple_of3A, %dma_wait3A_197] : memref<77x1024x512xf32, #tpu.memory_space<hbm>> -> memref<1x32x512xf32, #tpu.memory_space<hbm>>
    %dma_wait3A_199 = arith.constant 0 : i32
    %dma_wait3A_200 = arith.constant 0 : i32
    %dma_wait3A_201 = tpu.memref_slice %arg4[%dma_wait3A_199, %multiple_of3A, %dma_wait3A_200] : memref<77x1024x512xf32, #tpu.memory_space<hbm>> -> memref<1x32x512xf32, #tpu.memory_space<hbm>>
    tpu.wait_dma2 semaphore(%arg18 : memref<!tpu.dma_semaphore, #tpu.memory_space<semaphore_mem>>) src(%arg8 : memref<1x32x512xf32, #tpu.memory_space<vmem>>) dst(%dma_wait3A_201 : memref<1x32x512xf32, #tpu.memory_space<hbm>>)
    %dma_wait3A_202 = arith.constant 0 : i32
    %dma_wait3A_203 = arith.constant 0 : i32
    %dma_wait3A_204 = tpu.memref_slice %arg4[%dma_wait3A_202, %multiple_of3A, %dma_wait3A_203] : memref<77x1024x512xf32, #tpu.memory_space<hbm>> -> memref<1x32x512xf32, #tpu.memory_space<hbm>>
    %dma_wait3A_205 = arith.constant 0 : i32
    %dma_wait3A_206 = arith.constant 0 : i32
    %dma_wait3A_207 = tpu.memref_slice %arg4[%dma_wait3A_205, %multiple_of3A, %dma_wait3A_206] : memref<77x1024x512xf32, #tpu.memory_space<hbm>> -> memref<1x32x512xf32, #tpu.memory_space<hbm>>
    tpu.wait_dma2 semaphore(%arg19 : memref<!tpu.dma_semaphore, #tpu.memory_space<semaphore_mem>>) src(%arg9 : memref<1x32x512xf32, #tpu.memory_space<vmem>>) dst(%dma_wait3A_207 : memref<1x32x512xf32, #tpu.memory_space<hbm>>)
    %dma_wait3A_208 = arith.constant 0 : i32
    %dma_wait3A_209 = arith.constant 0 : i32
    %dma_wait3A_210 = tpu.memref_slice %arg4[%dma_wait3A_208, %multiple_of3A, %dma_wait3A_209] : memref<77x1024x512xf32, #tpu.memory_space<hbm>> -> memref<1x32x512xf32, #tpu.memory_space<hbm>>
    %dma_wait3A_211 = arith.constant 0 : i32
    %dma_wait3A_212 = arith.constant 0 : i32
    %dma_wait3A_213 = tpu.memref_slice %arg4[%dma_wait3A_211, %multiple_of3A, %dma_wait3A_212] : memref<77x1024x512xf32, #tpu.memory_space<hbm>> -> memref<1x32x512xf32, #tpu.memory_space<hbm>>
    tpu.wait_dma2 semaphore(%arg20 : memref<!tpu.dma_semaphore, #tpu.memory_space<semaphore_mem>>) src(%arg10 : memref<1x32x512xf32, #tpu.memory_space<vmem>>) dst(%dma_wait3A_213 : memref<1x32x512xf32, #tpu.memory_space<hbm>>)
    return
  }
}

</mosaic_0001>

<sc_bundles>
// kernel: kernel.3.cloned.1.call-start
scs
__scs_entry_jumppad:
0x0: {  	(pc) =	sbr.rel $0x88, $3  }
0x1: {  	(tag) =	ssettag $0x0;
	lr =	simm.s32 $0x1  }
0x2: {  	[smem:$0x3F9F] =	sst lr;
	_ =	strace $0xD0000000  }
0x3: {  	_ = 	snop  }
0x4: {  	_ = 	snop  }
0x5: {  	_ = 	snop  }
0x6: {  	_ = 	snop  }
0x7: {  	_ = 	snop  }
__scs_overlays_trampoline_lowered:
0x8: {  	[smem:$0x3FAE] =	sst s0  }
0x9: {  	[smem:$0x3FAF] =	sst s1  }
0xa: {  	[smem:$0x3FB0] =	sst s2  }
0xb: {  	[smem:$0x3FB1] =	sst s3  }
0xc: {  	[smem:$0x3FB2] =	sst s4  }
0xd: {  	[smem:$0x3FB3] =	sst s5  }
0xe: {  	[smem:$0x3FB4] =	sst s6  }
0xf: {  	[smem:$0x3FB5] =	sst s7  }
0x10: {  	[smem:$0x3FB6] =	sst s8  }
0x11: {  	[smem:$0x3FB7] =	sst s9;
	s0 =	simm.s32 @!p0 $0x0  }
0x12: {  	s1 =	sld [smem:$0x3F9D];
	s0 =	simm.s32 @p0 $0x1  }
0x13: {  	[smem:$0x3FB8] =	sst s0;
	s0 =	simm.s32 @!p1 $0x0  }
0x14: {  	s2 =	sld [smem:$0x3F9C];
	s0 =	simm.s32 @p1 $0x1  }
0x15: {  	[smem:$0x3FB9] =	sst s0;
	s0 =	simm.s32 @!p2 $0x0  }
0x16: {  	s3 =	sld [smem:$0x3FDB];
	s0 =	simm.s32 @p2 $0x1  }
0x17: {  	s4 =	simm.s32 $0x1BF5;
	[smem:$0x3FBB] =	sst s0  }
0x18: {  	s0 =	sld [smem:$0x3F9E];
	_ =	swait.ge [sflag:s4], $0x0  }
0x19: {  	s7 =	sld [smem:$0x3F9F]  }
0x1a: {  	s8 =	sadd.s32 $0xFFFFE003, lr  }
0x1b: {  	s9 =	sadd.s32 $0xFFFFFEF7, lr;
	s5 =	simm.s32 $0xFFFFFFFF;
	p2 =	slt.u32 s8, $0xFFFFF086  }
0x1c: {  	p1 =	slt.u32 s9, $0xF7A;
	s5 =	simm.s32 @!p2 $0x0  }
0x1d: {  	s5 =	simm.s32 @p1 $0x1;
	p0 =	seq.s32 s7, s2  }
0x1e: {  	s7 =	smul.u32 @!p0 $0xF7A, s2;
	p2 =	seq.s32 @!p0 s5, $0x0  }
0x1f: {  	s9 =	smul.u32 $0xF7A, s1;
	s8 =	simm.s32 @!p0 $0x1BF5;
	p2 =	por !p2, p0  }
0x20: {  	[sflag:s8] =	ssyncset.s32 @!p0 $0xFFFFF086;
	s6 =	sadd.s32 @!p0 s3, s7;
	s7 =	simm.s32 @!p0 $0x108  }
0x21: {  	s3 =	sadd.s32 s3, s9;
	s6 =	sadd.s32 @!p0 $0x88, s6;
	s7 =	simm.s32 @p2 $0x1082  }
0x22: {  	[simem:s7], [sflag:s8] =	dma.local @!p0 [hbm:s6], $0xF7A  }
0x23: {  	s9 =	sor.u32 $0xD0000000, s2;
	s6 =	simm.s32 $0x108;
	_ =	swait.ge @!p0 [sflag:s8], $0x0  }
0x24: {  	s3 =	sadd.s32 $0x88, s3;
	s6 =	simm.s32 @!p1 $0x1082;
	[sflag:s4] =	ssyncset.s32 $0xFFFFF086  }
0x25: {  	[simem:s6], [sflag:s4] =	dma.local [hbm:s3], $0xF7A  }
0x26: {  	[smem:$0x3F9F] =	sst s1;
	(tag) =	ssettag s2;
	_ =	strace s9  }
0x27: {  	s1 =	sld [smem:$0x3FAF]  }
0x28: {  	s2 =	sld [smem:$0x3FB0]  }
0x29: {  	s4 =	sld [smem:$0x3FB2]  }
0x2a: {  	p0 =	seq.s32 s5, $0x0;
	s5 =	sld [smem:$0x3FB3]  }
0x2b: {  	s6 =	sld [smem:$0x3FB4]  }
0x2c: {  	s7 =	sld [smem:$0x3FB5]  }
0x2d: {  	s3 =	simm.s32 $0x108;
	s8 =	sld [smem:$0x3FB6]  }
0x2e: {  	s3 =	simm.s32 @!p0 $0x1082;
	s9 =	sld [smem:$0x3FB7]  }
0x2f: {  	lr =	sadd.s32 s0, s3;
	s0 =	sld [smem:$0x3FAE]  }
0x30: {  	s3 =	sld [smem:$0x3FB1]  }
0x31: {  	[smem:$0x3FBA] =	sst s10  }
0x32: {  	s10 =	sld [smem:$0x3FB8];
	_ =	sdelay $0x3  }
0x33: {  	p0 =	seq.s32 s10, $0x1;
	s10 =	sld [smem:$0x3FBA];
	_ =	sdelay $0x3  }
0x34: {  	[smem:$0x3FBA] =	sst s10  }
0x35: {  	s10 =	sld [smem:$0x3FB9];
	_ =	sdelay $0x3  }
0x36: {  	p1 =	seq.s32 s10, $0x1;
	s10 =	sld [smem:$0x3FBA];
	_ =	sdelay $0x3  }
0x37: {  	[smem:$0x3FBA] =	sst s10  }
0x38: {  	s10 =	sld [smem:$0x3FBB]  }
0x39: {  	_ = 	snop;
	(pc) =	sbr.ind lr, $3  }
0x3a: {  	_ = 	snop  }
0x3b: {  	_ = 	snop  }
0x3c: {  	p2 =	seq.s32 s10, $0x1;
	s10 =	sld [smem:$0x3FBA]  }
0x3d: {  	_ =	shalt  }
0x3e: {  	_ =	shalt  }
0x3f: {  	_ =	shalt  }
0x40: {  	_ =	shalt  }
0x41: {  	_ =	shalt  }
0x42: {  	_ =	shalt  }
0x43: {  	_ =	shalt  }
0x44: {  	_ =	shalt  }
0x45: {  	_ =	shalt  }
0x46: {  	_ =	shalt  }
0x47: {  	_ =	shalt  }
0x48: {  	_ =	shalt  }
0x49: {  	_ =	shalt  }
0x4a: {  	_ =	shalt  }
0x4b: {  	_ =	shalt  }
0x4c: {  	_ =	shalt  }
0x4d: {  	_ =	shalt  }
0x4e: {  	_ =	shalt  }
0x4f: {  	_ =	shalt  }
0x50: {  	_ =	shalt  }
0x51: {  	_ =	shalt  }
0x52: {  	_ =	shalt  }
0x53: {  	_ =	shalt  }
0x54: {  	_ =	shalt  }
0x55: {  	_ =	shalt  }
0x56: {  	_ =	shalt  }
0x57: {  	_ =	shalt  }
0x58: {  	_ =	shalt  }
0x59: {  	_ =	shalt  }
0x5a: {  	_ =	shalt  }
0x5b: {  	_ =	shalt  }
0x5c: {  	_ =	shalt  }
0x5d: {  	_ =	shalt  }
0x5e: {  	_ =	shalt  }
0x5f: {  	_ =	shalt  }
0x60: {  	_ =	shalt  }
0x61: {  	_ =	shalt  }
0x62: {  	_ =	shalt  }
0x63: {  	_ =	shalt  }
0x64: {  	_ =	shalt  }
0x65: {  	_ =	shalt  }
0x66: {  	_ =	shalt  }
0x67: {  	_ =	shalt  }
0x68: {  	_ =	shalt  }
0x69: {  	_ =	shalt  }
0x6a: {  	_ =	shalt  }
0x6b: {  	_ =	shalt  }
0x6c: {  	_ =	shalt  }
0x6d: {  	_ =	shalt  }
0x6e: {  	_ =	shalt  }
0x6f: {  	_ =	shalt  }
0x70: {  	_ =	shalt  }
0x71: {  	_ =	shalt  }
0x72: {  	_ =	shalt  }
0x73: {  	_ =	shalt  }
0x74: {  	_ =	shalt  }
0x75: {  	_ =	shalt  }
0x76: {  	_ =	shalt  }
0x77: {  	_ =	shalt  }
0x78: {  	_ =	shalt  }
0x79: {  	_ =	shalt  }
0x7a: {  	_ =	shalt  }
0x7b: {  	_ =	shalt  }
0x7c: {  	_ =	shalt  }
0x7d: {  	_ =	shalt  }
0x7e: {  	_ =	shalt  }
0x7f: {  	_ =	shalt  }
0x80: {  	_ =	shalt  }
0x81: {  	_ =	shalt  }
0x82: {  	_ =	shalt  }
0x83: {  	_ =	shalt  }
0x84: {  	_ =	shalt  }
0x85: {  	_ =	shalt  }
0x86: {  	_ =	shalt  }
0x87: {  	_ =	shalt  }
.Lfunc_end0:
.L_simem_size_0:
called_computation_lowered:
.L_overlay_start_0:
0x88: {  	s2 =	sld [smem:$0x3FD9]  }
0x89: {  	s3 =	sld [smem:$0x3FFE];
	_ =	sdelay $0x1  }
0x8a: {  	s1 =	srdreg.scid  }
0x8b: {  	s0 =	sand.u32 $0x1, s1  }
0x8c: {  	s17 =	sshll.u32 s0, $0xA;
	s2 =	sadd.s32 s3, s2  }
0x8d: {  	s2 =	sadd.s32 s2, s17  }
0x8e: {  	[smem:$0x3FC6] =	sst s2  }
0x8f: {  	_ = 	snop  }
0x90: {  	s2 =	sld [smem:$0x3FC8]  }
0x91: {  	s18 =	sld [smem:$0x3FD0];
	(tm) =	ssettm $0x1  }
0x92: {  	s4 =	sld [smem:$0x3FFB];
	_ =	sdelay $0x3  }
0x93: {  	_ =	strace s4  }
0x94: {  	s4 =	sld [smem:$0x3FFC];
	_ =	sdelay $0x3  }
0x95: {  	_ =	strace s4  }
0x96: {  	s4 =	sld [smem:$0x3FFD];
	_ =	sdelay $0x3  }
0x97: {  	_ =	strace s4  }
0x98: {  	_ =	strace $0x8FFFFFFF  }
0x99: {  	s19 =	sld [smem:$0x3FDB];
	_ =	sdelay $0x1  }
0x9a: {  	s5 =	simm.s32 $_scs_section_size  }
0x9b: {  	s6 =	simm.s32 $_size__tile_overlayer_lowered;
	s7 =	simm.s32 $_tile_overlayer_lowered  }
0x9c: {  	s22 =	simm.s32 $0x1BFF;
	s21 =	sshll.u32 s7, $0x1;
	s4 =	sadd.s32 s5, s19  }
0x9d: {  	s8 =	simm.s32 $0x0;
	s20 =	sshll.u32 s6, $0x1;
	s6 =	sadd.s32 s21, s4  }
0x9e: {  	[timem:s8], [sflag:s22] =	dma.local [hbm:s6], s20  }
0x9f: {  	_ =	swait.ge [sflag:s22], s20  }
0xa0: {  	s5 =	ssub.s32 $0x0, s20;
	[sflag:s22] =	ssyncset.done $0x0  }
0xa1: {  	[sflag:s22] =	ssyncadd.s32 s5;
	_ =	sdelay $0x1  }
0xa2: {  	s23 =	simm.s32 $0x1B8B  }
0xa3: {  	_ =	swait.ge [sflag:s23], $0x1  }
0xa4: {  	[sflag:s23] =	ssyncset.done $0x0  }
0xa5: {  	s25 =	simm.s32 $0x1B8E;
	s24 =	sld [smem:$0x3FFE];
	[sflag:s23] =	ssyncadd.s32 $0xFFFFFFFF  }
0xa6: {  	s26 =	simm.s32 $execute0_lowered;
	[smem:$0x3FD2] =	sst s25  }
0xa7: {  	s6 =	sshll.u32 s26, $0x1;
	_ =	strace $0x80000046;
	[dreg:$0x1] =	wrdreg $0xFFFFFFFF  }
0xa8: {  	s28 =	simm.s32 $_size_execute0_lowered;
	s4 =	sadd.s32 s4, s6;
	[dreg:$0x0] =	wrdreg $0x0  }
0xa9: {  	s6 =	sshll.u32 s28, $0x1;
	[dreg:$0x2] =	wrdreg s4  }
0xaa: {  	[dreg:$0x3] =	wrdreg s6  }
0xab: {  	[dreg:$0x4] =	wrdreg $0xC0  }
0xac: {  	_ =	task [dreg:s8], $0x5FFFF  }
0xad: {  	[dreg:$0x1] =	wrdreg $0xFFFFFFFF  }
0xae: {  	[dreg:$0x0] =	wrdreg $0x60  }
0xaf: {  	[dreg:$0x2] =	wrdreg s24  }
0xb0: {  	[dreg:$0x3] =	wrdreg s2  }
0xb1: {  	[dreg:$0x4] =	wrdreg s18  }
0xb2: {  	[dreg:$0x5] =	wrdreg $0x9  }
0xb3: {  	_ =	task.clear_ibuf [dreg:s8], $0x6FFFF;
	_ =	strace $0x90000046  }
0xb4: {  	s29 =	simm.s32 $0x9;
	_ =	strace $0x80000048  }
0xb5: {  	_ =	swait.ge [sflag:s29], $0x1  }
0xb6: {  	[sflag:s29] =	ssyncadd.s32 $0xFFFFFFFF  }
0xb7: {  	_ =	strace $0x90000048  }
0xb8: {  	_ =	sfence  }
0xb9: {  	s30 =	sld [smem:$0x0];
	_ =	sdelay $0x2  }
0xba: {  	s31 =	sshll.u32 s1, $0xD;
	s1 =	sshrl.u32 s1, $0x2  }
0xbb: {  	s3 =	sand.u32 $0x4000, s31;
	s1 =	sadd.s32 s1, s30  }
0xbc: {  	s0 =	sor.u32 s3, s0;
	s1 =	sshll.u32 s1, $0x11  }
0xbd: {  	s0 =	sor.u32 s1, s0  }
0xbe: {  	s0 =	sadd.s32 $0x8F2B, s0  }
0xbf: {  	[sflag:s0] =	ssyncadd.remote.s32 $0x1  }
0xc0: {  	_ =	sfence.sel $0xFFFF  }
0xc1: {  	[dreg:$0x0] =	wrdreg $0xFFFFFFFF;
	(pc) =	sbr.abs _section_cstart, $3  }
0xc2: {  	[dreg:$0x1] =	wrdreg $0xFFFFFFFF  }
0xc3: {  	_ =	task.clear_ibuf [dreg:s8], $0x2FFFF;
	_ =	strace $0x9FFFFFFF  }
0xc4: {  	(tm) =	ssettm $0x7FFFFFFF  }
0xc5: {  	_ =	shalt  }
tec
execute0_lowered:
.L_overlay_start_1:
0x0: {  	(tag) =	ssettag $0x1  }
0x1: {  	s0 =	rddreg [dreg:$0x0]  }
0x2: {  	s2 =	rddreg [dreg:$0x1];
	s1 =	srdreg.scid  }
0x3: {  	s9 =	stileid.u32;
	s4 =	rddreg [dreg:$0x2];
	s30 =	simm.s32 $0xA00  }
0x4: {  	s10 =	simm.s32 $0x3A00;
	s11 =	simm.s32 $0x10A00;
	s28 =	simm.s32 $0x9  }
0x5: {  	s29 =	simm.s32 $0x5;
	s31 =	simm.s32 $0xA;
	s1 =	sand.u32 $0x1, s1  }
0x6: {  	s3 =	sshll.u32 s9, $0x1;
	s13 =	sshll.u32 s9, $0xF;
	s9 =	simm.s32 $0x3200  }
0x7: {  	s6 =	sor.u32 s1, s3;
	s3 =	simm.s32 $0x0;
	s7 =	ssub.s32 $0x2, s1  }
0x8: {  	s1 =	sshll.u32 s1, $0xE;
	s5 =	smul.u32 $0x134, s6;
	[smem:$0x7FF] =	sst s3  }
0x9: {  	s8 =	sshrl.u32 s7, $0x1;
	s12 =	sshll.u32 s6, $0xB;
	s1 =	sor.u32 s1, s13  }
0xa: {  	s13 =	simm.s32 $0x14A00;
	_ =	strace $0x80000047;
	s7 =	ssub.s32 s7, s8  }
0xb: {  	s17 =	sshrl.u32 s1, $0x3;
	s18 =	sor.u32 $0x100000, s1;
	s21 =	sor.u32 $0x200000, s1  }
0xc: {  	s23 =	sor.u32 $0x280000, s1;
	s1 =	sor.u32 $0x300000, s1;
	s0 =	sadd.s32 s5, s0  }
0xd: {  	s5 =	sadd.s32 $0x100, s2;
	s6 =	sadd.s32 s17, s4;
	s8 =	sshrl.u32 s18, $0x3  }
0xe: {  	s22 =	sshrl.u32 s21, $0x3;
	s1 =	sshrl.u32 s1, $0x3;
	s26 =	smax.u32 s7, $0x1  }
0xf: {  	s18 =	simm.s32 $0x5A00;
	s7 =	simm.s32 $0x18A00;
	s17 =	simm.s32 $0x4000  }
0x10: {  	s21 =	simm.s32 $0x2;
	s0 =	sadd.s32 $0x400, s0;
	[dreg:$0x4] =	wrdreg s6  }
0x11: {  	s20 =	sadd.s32 s8, s4;
	s6 =	sadd.s32 s22, s4;
	[dreg:$0xf] =	wrdreg s26  }
0x12: {  	s8 =	sshrl.u32 s23, $0x3;
	s25 =	sadd.s32 s1, s4;
	[dreg:$0x9] =	wrdreg s0  }
0x13: {  	s1 =	simm.s32 $0x1200;
	s26 =	simm.s32 $0x4200;
	[dreg:$0x5] =	wrdreg s20  }
0x14: {  	s22 =	simm.s32 $0x7;
	s23 =	simm.s32 $0x3;
	[dreg:$0x6] =	wrdreg s6  }
0x15: {  	s0 =	sadd.s32 s12, s4;
	s24 =	sadd.s32 s8, s4;
	[dreg:$0x8] =	wrdreg s25  }
0x16: {  	s4 =	simm.s32 $0x1A00;
	s14 =	sadd.s32 $0x460000, s0;
	[dreg:$0x7] =	wrdreg s24  }
0x17: {  	s8 =	simm.s32 $0x2A00;
	s15 =	sadd.s32 $0x480000, s0;
	[dreg:$0xa] =	wrdreg s14  }
0x18: {  	s12 =	simm.s32 $0x4A00;
	s16 =	sadd.s32 $0x4A0000, s0;
	[dreg:$0xb] =	wrdreg s15  }
0x19: {  	s6 =	simm.s32 $0x8A00;
	s19 =	sadd.s32 $0x4B0000, s0;
	[dreg:$0xc] =	wrdreg s16  }
0x1a: {  	s20 =	simm.s32 $0x6;
	s0 =	sadd.s32 $0x4C0000, s0;
	[dreg:$0xd] =	wrdreg s19  }
0x1b: {  	v2 =	vlaneseq.u32;
	s25 =	simm.s32 $0x4;
	s24 =	simm.s32 $0x8;
	[dreg:$0xe] =	wrdreg s0  }
0x1c: {  	vm0 =	vmmov $0xffff;
	v1 =	vshrl.u32 v2, $0x3;
	s15 =	simm.s32 $0x2200;
	s14 =	simm.s32 $0x6200;
	s0 =	simm.s32 $0x0  }
0x1d: {  	v0 =	vand.u32 $0x7, v2;
	v2 =	vor.u32 $0x8, v2;
	v1 =	vmul.u32 $0x8, v1;
	s16 =	simm.s32 $0x1;
	s19 =	simm.s32 $0x80000;
	[dreg:$0x10] =	wrdreg s0  }
.LBB2_1:
0x1e: {  	s0 =	rddreg [dreg:$0x9]  }
0x1f: {  	[tilespmem:s3], [sflag:$0xB] =	stream.linear.gather [hbm4b:s0+s3], $0x9A0, $0x38;
	[tilespmem:$0x1CA00] =	vst v63  }
0x20: {  	s0 =	simm.s32 $0xB  }
0x21: {  	_ =	swait.ge [sflag:s0], $0x9A0  }
0x22: {  	[sflag:s0] =	ssyncset.done $0x0  }
0x23: {  	[sflag:s0] =	ssyncadd.s32 $0xFFFFF660  }
0x24: {  	v3 =	vld [tilespmem:$0x0];
	_ =	sdelay $0x4  }
0x25: {  	v4 =	vshll.u32 v3, $0x2  }
0x26: {  	v3 =	vand.u32 $0x7, v3;
	v4 =	vand.u32 $0xFFFFFFE0, v4  }
0x27: {  	v3 =	vor.u32 v3, v4  }
0x28: {  	v4 =	vperm.xlane v3, v0;
	_ =	sdelay $0x1  }
0x29: {  	v4 =	vadd.s32 v1, v4;
	_ =	sdelay $0x1  }
0x2a: {  	v3 =	vperm.xlane v3, v2;
	_ =	sdelay $0x1  }
0x2b: {  	v3 =	vadd.s32 v1, v3  }
0x2c: {  	[tilespmem:s30], [sflag:$0x1] =	stream.indirect_vreg.gather [hbm4b:s2+s3], $0x80, v4, vm0, $0xb8;
	[tilespmem:$0x1CA00] =	vst v63  }
0x2d: {  	_ = 	snop  }
0x2e: {  	[tilespmem:s1], [sflag:$0x1] =	stream.indirect_vreg.gather [hbm4b:s5+s3], $0x80, v4, vm0, $0xb8;
	[tilespmem:$0x1CA00] =	vst v63  }
0x2f: {  	_ = 	snop  }
0x30: {  	[tilespmem:s4], [sflag:$0x1] =	stream.indirect_vreg.gather [hbm4b:s2+s3], $0x80, v3, vm0, $0xb8;
	[tilespmem:$0x1CA00] =	vst v63  }
0x31: {  	_ = 	snop  }
0x32: {  	[tilespmem:s15], [sflag:$0x1] =	stream.indirect_vreg.gather [hbm4b:s5+s3], $0x80, v3, vm0, $0xb8;
	[tilespmem:$0x1CA00] =	vst v63  }
0x33: {  	v3 =	vld [tilespmem:$0x10];
	_ =	sdelay $0x4  }
0x34: {  	v51 =	vshll.u32 v3, $0x2  }
0x35: {  	v3 =	vand.u32 $0x7, v3;
	v4 =	vand.u32 $0xFFFFFFE0, v51  }
0x36: {  	v3 =	vor.u32 v3, v4  }
0x37: {  	v4 =	vperm.xlane v3, v0;
	_ =	sdelay $0x1  }
0x38: {  	v4 =	vadd.s32 v1, v4;
	_ =	sdelay $0x1  }
0x39: {  	v3 =	vperm.xlane v3, v2;
	_ =	sdelay $0x1  }
0x3a: {  	v3 =	vadd.s32 v1, v3  }
0x3b: {  	[tilespmem:s8], [sflag:$0x1] =	stream.indirect_vreg.gather [hbm4b:s2+s3], $0x80, v4, vm0, $0xb8;
	[tilespmem:$0x1CA00] =	vst v63  }
0x3c: {  	_ = 	snop  }
0x3d: {  	[tilespmem:s9], [sflag:$0x1] =	stream.indirect_vreg.gather [hbm4b:s5+s3], $0x80, v4, vm0, $0xb8;
	[tilespmem:$0x1CA00] =	vst v63  }
0x3e: {  	_ = 	snop  }
0x3f: {  	[tilespmem:s10], [sflag:$0x1] =	stream.indirect_vreg.gather [hbm4b:s2+s3], $0x80, v3, vm0, $0xb8;
	[tilespmem:$0x1CA00] =	vst v63  }
0x40: {  	_ = 	snop  }
0x41: {  	[tilespmem:s26], [sflag:$0x1] =	stream.indirect_vreg.gather [hbm4b:s5+s3], $0x80, v3, vm0, $0xb8;
	[tilespmem:$0x1CA00] =	vst v63  }
0x42: {  	v3 =	vld [tilespmem:$0x20];
	_ =	sdelay $0x4  }
0x43: {  	v52 =	vshll.u32 v3, $0x2  }
0x44: {  	v3 =	vand.u32 $0x7, v3;
	v4 =	vand.u32 $0xFFFFFFE0, v52  }
0x45: {  	v3 =	vor.u32 v3, v4  }
0x46: {  	v4 =	vperm.xlane v3, v0;
	_ =	sdelay $0x1  }
0x47: {  	v4 =	vadd.s32 v1, v4;
	_ =	sdelay $0x1  }
0x48: {  	v3 =	vperm.xlane v3, v2;
	_ =	sdelay $0x1  }
0x49: {  	v3 =	vadd.s32 v1, v3  }
0x4a: {  	[tilespmem:s12], [sflag:$0x1] =	stream.indirect_vreg.gather [hbm4b:s2+s3], $0x80, v4, vm0, $0xb8;
	[tilespmem:$0x1CA00] =	vst v63  }
0x4b: {  	s1 =	simm.s32 $0x5200  }
0x4c: {  	[tilespmem:s1], [sflag:$0x1] =	stream.indirect_vreg.gather [hbm4b:s5+s3], $0x80, v4, vm0, $0xb8;
	[tilespmem:$0x1CA00] =	vst v63  }
0x4d: {  	_ = 	snop  }
0x4e: {  	[tilespmem:s18], [sflag:$0x1] =	stream.indirect_vreg.gather [hbm4b:s2+s3], $0x80, v3, vm0, $0xb8;
	[tilespmem:$0x1CA00] =	vst v63  }
0x4f: {  	_ = 	snop  }
0x50: {  	[tilespmem:s14], [sflag:$0x1] =	stream.indirect_vreg.gather [hbm4b:s5+s3], $0x80, v3, vm0, $0xb8;
	[tilespmem:$0x1CA00] =	vst v63  }
0x51: {  	v3 =	vld [tilespmem:$0x30];
	_ =	sdelay $0x4  }
0x52: {  	v53 =	vshll.u32 v3, $0x2  }
0x53: {  	v3 =	vand.u32 $0x7, v3;
	v4 =	vand.u32 $0xFFFFFFE0, v53  }
0x54: {  	v3 =	vor.u32 v3, v4  }
0x55: {  	v4 =	vperm.xlane v3, v0;
	_ =	sdelay $0x1  }
0x56: {  	v4 =	vadd.s32 v1, v4;
	_ =	sdelay $0x1  }
0x57: {  	v3 =	vperm.xlane v3, v2;
	_ =	sdelay $0x1  }
0x58: {  	s4 =	simm.s32 $0x6A00;
	v3 =	vadd.s32 v1, v3  }
0x59: {  	[tilespmem:s4], [sflag:$0x1] =	stream.indirect_vreg.gather [hbm4b:s2+s3], $0x80, v4, vm0, $0xb8;
	[tilespmem:$0x1CA00] =	vst v63  }
0x5a: {  	s8 =	simm.s32 $0x7200  }
0x5b: {  	[tilespmem:s8], [sflag:$0x1] =	stream.indirect_vreg.gather [hbm4b:s5+s3], $0x80, v4, vm0, $0xb8;
	[tilespmem:$0x1CA00] =	vst v63  }
0x5c: {  	s9 =	simm.s32 $0x7A00  }
0x5d: {  	[tilespmem:s9], [sflag:$0x1] =	stream.indirect_vreg.gather [hbm4b:s2+s3], $0x80, v3, vm0, $0xb8;
	[tilespmem:$0x1CA00] =	vst v63  }
0x5e: {  	s10 =	simm.s32 $0x8200  }
0x5f: {  	[tilespmem:s10], [sflag:$0x1] =	stream.indirect_vreg.gather [hbm4b:s5+s3], $0x80, v3, vm0, $0xb8;
	[tilespmem:$0x1CA00] =	vst v63  }
0x60: {  	v3 =	vld [tilespmem:$0x40];
	_ =	sdelay $0x4  }
0x61: {  	v54 =	vshll.u32 v3, $0x2  }
0x62: {  	v3 =	vand.u32 $0x7, v3;
	v4 =	vand.u32 $0xFFFFFFE0, v54  }
0x63: {  	v3 =	vor.u32 v3, v4  }
0x64: {  	v4 =	vperm.xlane v3, v0;
	_ =	sdelay $0x1  }
0x65: {  	v4 =	vadd.s32 v1, v4;
	_ =	sdelay $0x1  }
0x66: {  	v3 =	vperm.xlane v3, v2;
	_ =	sdelay $0x1  }
0x67: {  	v3 =	vadd.s32 v1, v3  }
0x68: {  	[tilespmem:s6], [sflag:$0x2] =	stream.indirect_vreg.gather [hbm4b:s2+s3], $0x80, v4, vm0, $0xb8;
	[tilespmem:$0x1CA00] =	vst v63  }
0x69: {  	s12 =	simm.s32 $0x9200  }
0x6a: {  	[tilespmem:s12], [sflag:$0x2] =	stream.indirect_vreg.gather [hbm4b:s5+s3], $0x80, v4, vm0, $0xb8;
	[tilespmem:$0x1CA00] =	vst v63  }
0x6b: {  	s14 =	simm.s32 $0x9A00  }
0x6c: {  	[tilespmem:s14], [sflag:$0x2] =	stream.indirect_vreg.gather [hbm4b:s2+s3], $0x80, v3, vm0, $0xb8;
	[tilespmem:$0x1CA00] =	vst v63  }
0x6d: {  	s15 =	simm.s32 $0xA200  }
0x6e: {  	[tilespmem:s15], [sflag:$0x2] =	stream.indirect_vreg.gather [hbm4b:s5+s3], $0x80, v3, vm0, $0xb8;
	[tilespmem:$0x1CA00] =	vst v63  }
0x6f: {  	v3 =	vld [tilespmem:$0x50];
	_ =	sdelay $0x4  }
0x70: {  	v55 =	vshll.u32 v3, $0x2  }
0x71: {  	v3 =	vand.u32 $0x7, v3;
	v4 =	vand.u32 $0xFFFFFFE0, v55  }
0x72: {  	v3 =	vor.u32 v3, v4  }
0x73: {  	v4 =	vperm.xlane v3, v0;
	_ =	sdelay $0x1  }
0x74: {  	v4 =	vadd.s32 v1, v4;
	_ =	sdelay $0x1  }
0x75: {  	v3 =	vperm.xlane v3, v2;
	_ =	sdelay $0x1  }
0x76: {  	s18 =	simm.s32 $0xAA00;
	v3 =	vadd.s32 v1, v3  }
0x77: {  	[tilespmem:s18], [sflag:$0x2] =	stream.indirect_vreg.gather [hbm4b:s2+s3], $0x80, v4, vm0, $0xb8;
	[tilespmem:$0x1CA00] =	vst v63  }
0x78: {  	s26 =	simm.s32 $0xB200  }
0x79: {  	[tilespmem:s26], [sflag:$0x2] =	stream.indirect_vreg.gather [hbm4b:s5+s3], $0x80, v4, vm0, $0xb8;
	[tilespmem:$0x1CA00] =	vst v63  }
0x7a: {  	s30 =	simm.s32 $0xBA00  }
0x7b: {  	[tilespmem:s30], [sflag:$0x2] =	stream.indirect_vreg.gather [hbm4b:s2+s3], $0x80, v3, vm0, $0xb8;
	[tilespmem:$0x1CA00] =	vst v63  }
0x7c: {  	s1 =	simm.s32 $0xC200  }
0x7d: {  	[tilespmem:s1], [sflag:$0x2] =	stream.indirect_vreg.gather [hbm4b:s5+s3], $0x80, v3, vm0, $0xb8;
	[tilespmem:$0x1CA00] =	vst v63  }
0x7e: {  	v3 =	vld [tilespmem:$0x60];
	_ =	sdelay $0x4  }
0x7f: {  	v56 =	vshll.u32 v3, $0x2  }
0x80: {  	v3 =	vand.u32 $0x7, v3;
	v4 =	vand.u32 $0xFFFFFFE0, v56  }
0x81: {  	v3 =	vor.u32 v3, v4  }
0x82: {  	v4 =	vperm.xlane v3, v0;
	_ =	sdelay $0x1  }
0x83: {  	v4 =	vadd.s32 v1, v4;
	_ =	sdelay $0x1  }
0x84: {  	v3 =	vperm.xlane v3, v2;
	_ =	sdelay $0x1  }
0x85: {  	s4 =	simm.s32 $0xCA00;
	v3 =	vadd.s32 v1, v3  }
0x86: {  	[tilespmem:s4], [sflag:$0x2] =	stream.indirect_vreg.gather [hbm4b:s2+s3], $0x80, v4, vm0, $0xb8;
	[tilespmem:$0x1CA00] =	vst v63  }
0x87: {  	s6 =	simm.s32 $0xD200  }
0x88: {  	[tilespmem:s6], [sflag:$0x2] =	stream.indirect_vreg.gather [hbm4b:s5+s3], $0x80, v4, vm0, $0xb8;
	[tilespmem:$0x1CA00] =	vst v63  }
0x89: {  	s8 =	simm.s32 $0xDA00  }
0x8a: {  	[tilespmem:s8], [sflag:$0x2] =	stream.indirect_vreg.gather [hbm4b:s2+s3], $0x80, v3, vm0, $0xb8;
	[tilespmem:$0x1CA00] =	vst v63  }
0x8b: {  	s9 =	simm.s32 $0xE200  }
0x8c: {  	[tilespmem:s9], [sflag:$0x2] =	stream.indirect_vreg.gather [hbm4b:s5+s3], $0x80, v3, vm0, $0xb8;
	[tilespmem:$0x1CA00] =	vst v63  }
0x8d: {  	v3 =	vld [tilespmem:$0x70];
	_ =	sdelay $0x4  }
0x8e: {  	v57 =	vshll.u32 v3, $0x2  }
0x8f: {  	v3 =	vand.u32 $0x7, v3;
	v4 =	vand.u32 $0xFFFFFFE0, v57  }
0x90: {  	v3 =	vor.u32 v3, v4  }
0x91: {  	v4 =	vperm.xlane v3, v0;
	_ =	sdelay $0x1  }
0x92: {  	v4 =	vadd.s32 v1, v4;
	_ =	sdelay $0x1  }
0x93: {  	v3 =	vperm.xlane v3, v2;
	_ =	sdelay $0x1  }
0x94: {  	s10 =	simm.s32 $0xEA00;
	v3 =	vadd.s32 v1, v3  }
0x95: {  	[tilespmem:s10], [sflag:$0x2] =	stream.indirect_vreg.gather [hbm4b:s2+s3], $0x80, v4, vm0, $0xb8;
	[tilespmem:$0x1CA00] =	vst v63  }
0x96: {  	s12 =	simm.s32 $0xF200  }
0x97: {  	[tilespmem:s12], [sflag:$0x2] =	stream.indirect_vreg.gather [hbm4b:s5+s3], $0x80, v4, vm0, $0xb8;
	[tilespmem:$0x1CA00] =	vst v63  }
0x98: {  	s14 =	simm.s32 $0xFA00  }
0x99: {  	[tilespmem:s14], [sflag:$0x2] =	stream.indirect_vreg.gather [hbm4b:s2+s3], $0x80, v3, vm0, $0xb8;
	[tilespmem:$0x1CA00] =	vst v63  }
0x9a: {  	s15 =	simm.s32 $0x10200  }
0x9b: {  	[tilespmem:s15], [sflag:$0x2] =	stream.indirect_vreg.gather [hbm4b:s5+s3], $0x80, v3, vm0, $0xb8;
	[tilespmem:$0x1CA00] =	vst v63  }
0x9c: {  	v3 =	vld [tilespmem:$0x80];
	_ =	sdelay $0x4  }
0x9d: {  	v58 =	vshll.u32 v3, $0x2  }
0x9e: {  	v3 =	vand.u32 $0x7, v3;
	v4 =	vand.u32 $0xFFFFFFE0, v58  }
0x9f: {  	v3 =	vor.u32 v3, v4  }
0xa0: {  	v4 =	vperm.xlane v3, v0;
	_ =	sdelay $0x1  }
0xa1: {  	v4 =	vadd.s32 v1, v4;
	_ =	sdelay $0x1  }
0xa2: {  	v3 =	vperm.xlane v3, v2;
	_ =	sdelay $0x1  }
0xa3: {  	v3 =	vadd.s32 v1, v3  }
0xa4: {  	[tilespmem:s11], [sflag:$0x3] =	stream.indirect_vreg.gather [hbm4b:s2+s3], $0x80, v4, vm0, $0xb8;
	[tilespmem:$0x1CA00] =	vst v63  }
0xa5: {  	s18 =	simm.s32 $0x11200  }
0xa6: {  	[tilespmem:s18], [sflag:$0x3] =	stream.indirect_vreg.gather [hbm4b:s5+s3], $0x80, v4, vm0, $0xb8;
	[tilespmem:$0x1CA00] =	vst v63  }
0xa7: {  	s26 =	simm.s32 $0x11A00  }
0xa8: {  	[tilespmem:s26], [sflag:$0x3] =	stream.indirect_vreg.gather [hbm4b:s2+s3], $0x80, v3, vm0, $0xb8;
	[tilespmem:$0x1CA00] =	vst v63  }
0xa9: {  	s30 =	simm.s32 $0x12200  }
0xaa: {  	[tilespmem:s30], [sflag:$0x3] =	stream.indirect_vreg.gather [hbm4b:s5+s3], $0x80, v3, vm0, $0xb8;
	[tilespmem:$0x1CA00] =	vst v63  }
0xab: {  	v3 =	vld [tilespmem:$0x90];
	_ =	sdelay $0x4  }
0xac: {  	v59 =	vshll.u32 v3, $0x2  }
0xad: {  	v3 =	vand.u32 $0x7, v3;
	v4 =	vand.u32 $0xFFFFFFE0, v59  }
0xae: {  	v3 =	vor.u32 v3, v4  }
0xaf: {  	v4 =	vperm.xlane v3, v0;
	_ =	sdelay $0x1  }
0xb0: {  	v4 =	vadd.s32 v1, v4;
	_ =	sdelay $0x1  }
0xb1: {  	v3 =	vperm.xlane v3, v2;
	_ =	sdelay $0x1  }
0xb2: {  	s1 =	simm.s32 $0x12A00;
	v3 =	vadd.s32 v1, v3  }
0xb3: {  	[tilespmem:s1], [sflag:$0x3] =	stream.indirect_vreg.gather [hbm4b:s2+s3], $0x80, v4, vm0, $0xb8;
	[tilespmem:$0x1CA00] =	vst v63  }
0xb4: {  	s4 =	simm.s32 $0x13200  }
0xb5: {  	[tilespmem:s4], [sflag:$0x3] =	stream.indirect_vreg.gather [hbm4b:s5+s3], $0x80, v4, vm0, $0xb8;
	[tilespmem:$0x1CA00] =	vst v63  }
0xb6: {  	s6 =	simm.s32 $0x13A00  }
0xb7: {  	[tilespmem:s6], [sflag:$0x3] =	stream.indirect_vreg.gather [hbm4b:s2+s3], $0x80, v3, vm0, $0xb8;
	[tilespmem:$0x1CA00] =	vst v63  }
0xb8: {  	s8 =	simm.s32 $0x14200  }
0xb9: {  	[tilespmem:s8], [sflag:$0x3] =	stream.indirect_vreg.gather [hbm4b:s5+s3], $0x80, v3, vm0, $0xb8;
	[tilespmem:$0x1CA00] =	vst v63  }
0xba: {  	v3 =	vld [tilespmem:$0xA0];
	_ =	sdelay $0x4  }
0xbb: {  	v60 =	vshll.u32 v3, $0x2  }
0xbc: {  	v3 =	vand.u32 $0x7, v3;
	v4 =	vand.u32 $0xFFFFFFE0, v60  }
0xbd: {  	v3 =	vor.u32 v3, v4  }
0xbe: {  	v4 =	vperm.xlane v3, v0;
	_ =	sdelay $0x1  }
0xbf: {  	v4 =	vadd.s32 v1, v4;
	_ =	sdelay $0x1  }
0xc0: {  	v3 =	vperm.xlane v3, v2;
	_ =	sdelay $0x1  }
0xc1: {  	v3 =	vadd.s32 v1, v3  }
0xc2: {  	[tilespmem:s13], [sflag:$0x4] =	stream.indirect_vreg.gather [hbm4b:s2+s3], $0x80, v4, vm0, $0xb8;
	[tilespmem:$0x1CA00] =	vst v63  }
0xc3: {  	s9 =	simm.s32 $0x15200  }
0xc4: {  	[tilespmem:s9], [sflag:$0x4] =	stream.indirect_vreg.gather [hbm4b:s5+s3], $0x80, v4, vm0, $0xb8;
	[tilespmem:$0x1CA00] =	vst v63  }
0xc5: {  	s10 =	simm.s32 $0x15A00  }
0xc6: {  	[tilespmem:s10], [sflag:$0x4] =	stream.indirect_vreg.gather [hbm4b:s2+s3], $0x80, v3, vm0, $0xb8;
	[tilespmem:$0x1CA00] =	vst v63  }
0xc7: {  	s11 =	simm.s32 $0x16200  }
0xc8: {  	[tilespmem:s11], [sflag:$0x4] =	stream.indirect_vreg.gather [hbm4b:s5+s3], $0x80, v3, vm0, $0xb8;
	[tilespmem:$0x1CA00] =	vst v63  }
0xc9: {  	v3 =	vld [tilespmem:$0xB0];
	_ =	sdelay $0x4  }
0xca: {  	v61 =	vshll.u32 v3, $0x2  }
0xcb: {  	v3 =	vand.u32 $0x7, v3;
	v4 =	vand.u32 $0xFFFFFFE0, v61  }
0xcc: {  	v3 =	vor.u32 v3, v4  }
0xcd: {  	v4 =	vperm.xlane v3, v0;
	_ =	sdelay $0x1  }
0xce: {  	v4 =	vadd.s32 v1, v4;
	_ =	sdelay $0x1  }
0xcf: {  	v3 =	vperm.xlane v3, v2;
	_ =	sdelay $0x1  }
0xd0: {  	s12 =	simm.s32 $0x16A00;
	v3 =	vadd.s32 v1, v3  }
0xd1: {  	[tilespmem:s12], [sflag:$0x4] =	stream.indirect_vreg.gather [hbm4b:s2+s3], $0x80, v4, vm0, $0xb8;
	[tilespmem:$0x1CA00] =	vst v63  }
0xd2: {  	s13 =	simm.s32 $0x17200  }
0xd3: {  	[tilespmem:s13], [sflag:$0x4] =	stream.indirect_vreg.gather [hbm4b:s5+s3], $0x80, v4, vm0, $0xb8;
	[tilespmem:$0x1CA00] =	vst v63  }
0xd4: {  	s14 =	simm.s32 $0x17A00  }
0xd5: {  	[tilespmem:s14], [sflag:$0x4] =	stream.indirect_vreg.gather [hbm4b:s2+s3], $0x80, v3, vm0, $0xb8;
	[tilespmem:$0x1CA00] =	vst v63  }
0xd6: {  	s15 =	simm.s32 $0x18200  }
0xd7: {  	[tilespmem:s15], [sflag:$0x4] =	stream.indirect_vreg.gather [hbm4b:s5+s3], $0x80, v3, vm0, $0xb8;
	[tilespmem:$0x1CA00] =	vst v63  }
0xd8: {  	v3 =	vld [tilespmem:$0xC0];
	_ =	sdelay $0x4  }
0xd9: {  	v62 =	vshll.u32 v3, $0x2  }
0xda: {  	v3 =	vand.u32 $0x7, v3;
	v4 =	vand.u32 $0xFFFFFFE0, v62  }
0xdb: {  	v3 =	vor.u32 v3, v4  }
0xdc: {  	v4 =	vperm.xlane v3, v0;
	_ =	sdelay $0x1  }
0xdd: {  	v4 =	vadd.s32 v1, v4;
	_ =	sdelay $0x1  }
0xde: {  	v3 =	vperm.xlane v3, v2;
	_ =	sdelay $0x1  }
0xdf: {  	v3 =	vadd.s32 v1, v3  }
0xe0: {  	[tilespmem:s7], [sflag:$0x5] =	stream.indirect_vreg.gather [hbm4b:s2+s3], $0x80, v4, vm0, $0xb8;
	[tilespmem:$0x1CA00] =	vst v63  }
0xe1: {  	s18 =	simm.s32 $0x19200  }
0xe2: {  	[tilespmem:s18], [sflag:$0x5] =	stream.indirect_vreg.gather [hbm4b:s5+s3], $0x80, v4, vm0, $0xb8;
	[tilespmem:$0x1CA00] =	vst v63  }
0xe3: {  	s26 =	simm.s32 $0x19A00  }
0xe4: {  	[tilespmem:s26], [sflag:$0x5] =	stream.indirect_vreg.gather [hbm4b:s2+s3], $0x80, v3, vm0, $0xb8;
	[tilespmem:$0x1CA00] =	vst v63  }
0xe5: {  	s30 =	simm.s32 $0x1A200  }
0xe6: {  	[tilespmem:s30], [sflag:$0x5] =	stream.indirect_vreg.gather [hbm4b:s5+s3], $0x80, v3, vm0, $0xb8;
	[tilespmem:$0x1CA00] =	vst v63  }
0xe7: {  	v3 =	vld [tilespmem:$0xD0];
	_ =	sdelay $0x4  }
0xe8: {  	v63 =	vshll.u32 v3, $0x2  }
0xe9: {  	v3 =	vand.u32 $0x7, v3;
	v4 =	vand.u32 $0xFFFFFFE0, v63  }
0xea: {  	v3 =	vor.u32 v3, v4  }
0xeb: {  	v4 =	vperm.xlane v3, v0;
	_ =	sdelay $0x1  }
0xec: {  	v4 =	vadd.s32 v1, v4;
	_ =	sdelay $0x1  }
0xed: {  	v3 =	vperm.xlane v3, v2;
	_ =	sdelay $0x1  }
0xee: {  	s14 =	simm.s32 $0x1AA00;
	v3 =	vadd.s32 v1, v3  }
0xef: {  	[tilespmem:s14], [sflag:$0x5] =	stream.indirect_vreg.gather [hbm4b:s2+s3], $0x80, v4, vm0, $0xb8;
	[tilespmem:$0x1CA00] =	vst v63  }
0xf0: {  	s10 =	simm.s32 $0x1B200  }
0xf1: {  	[tilespmem:s10], [sflag:$0x5] =	stream.indirect_vreg.gather [hbm4b:s5+s3], $0x80, v4, vm0, $0xb8;
	[tilespmem:$0x1CA00] =	vst v63  }
0xf2: {  	s0 =	simm.s32 $0x0;
	s1 =	simm.s32 $0x1B0;
	s8 =	simm.s32 $0x1BA00  }
0xf3: {  	[tilespmem:s8], [sflag:$0x5] =	stream.indirect_vreg.gather [hbm4b:s2+s3], $0x80, v3, vm0, $0xb8;
	[tilespmem:$0x1CA00] =	vst v63  }
0xf4: {  	s9 =	simm.s32 $0x6A00;
	s12 =	simm.s32 $0x1C200;
	s15 =	simm.s32 $0x4A00  }
0xf5: {  	[tilespmem:s12], [sflag:$0x5] =	stream.indirect_vreg.gather [hbm4b:s5+s3], $0x80, v3, vm0, $0xb8;
	[tilespmem:$0x1CA00] =	vst v63  }
.LBB2_2:
0xf6: {  	_ =	swait.ge [sflag:s16], $0x4000  }
0xf7: {  	[sflag:s16] =	ssyncset.done $0x0  }
0xf8: {  	[sflag:s16] =	ssyncadd.s32 $0xFFFFC000  }
0xf9: {  	_ =	swait.ge [sflag:s16], $0x4000  }
0xfa: {  	s4 =	rddreg [dreg:$0x4];
	[sflag:s16] =	ssyncset.done $0x0  }
0xfb: {  	s18 =	simm.s32 $0xA00;
	[sflag:s16] =	ssyncadd.s32 $0xFFFFC000;
	s4 =	sadd.s32 s0, s4  }
0xfc: {  	[hbm4b:s4+s17] =	stream.strided.scatter [tilespmem:s18], [sflag:$0x6], $0x8000, s19, s17, $0x38;
	[tilespmem:$0x1CA00] =	vst v63  }
0xfd: {  	_ =	swait.ge [sflag:s20], $0x8000  }
0xfe: {  	[sflag:s20] =	ssyncset.done $0x0  }
0xff: {  	[sflag:s20] =	ssyncadd.s32 $0xFFFF8000  }
0x100: {  	v3 =	vld [tilespmem:s1+$0xFFFFFF30];
	_ =	sdelay $0x4  }
0x101: {  	v4 =	vshll.u32 v3, $0x2  }
0x102: {  	v3 =	vand.u32 $0x7, v3;
	v4 =	vand.u32 $0xFFFFFFE0, v4  }
0x103: {  	v3 =	vor.u32 v3, v4  }
0x104: {  	v4 =	vperm.xlane v3, v0;
	_ =	sdelay $0x1  }
0x105: {  	v4 =	vadd.s32 v1, v4;
	_ =	sdelay $0x1  }
0x106: {  	v3 =	vperm.xlane v3, v2;
	_ =	sdelay $0x1  }
0x107: {  	v3 =	vadd.s32 v1, v3  }
0x108: {  	[tilespmem:s18], [sflag:$0x1] =	stream.indirect_vreg.gather [hbm4b:s2+s3], $0x80, v4, vm0, $0xb8;
	[tilespmem:$0x1CA00] =	vst v63  }
0x109: {  	s11 =	simm.s32 $0x1200  }
0x10a: {  	[tilespmem:s11], [sflag:$0x1] =	stream.indirect_vreg.gather [hbm4b:s5+s3], $0x80, v4, vm0, $0xb8;
	[tilespmem:$0x1CA00] =	vst v63  }
0x10b: {  	s13 =	simm.s32 $0x1A00  }
0x10c: {  	[tilespmem:s13], [sflag:$0x1] =	stream.indirect_vreg.gather [hbm4b:s2+s3], $0x80, v3, vm0, $0xb8;
	[tilespmem:$0x1CA00] =	vst v63  }
0x10d: {  	s26 =	simm.s32 $0x2200  }
0x10e: {  	[tilespmem:s26], [sflag:$0x1] =	stream.indirect_vreg.gather [hbm4b:s5+s3], $0x80, v3, vm0, $0xb8;
	[tilespmem:$0x1CA00] =	vst v63  }
0x10f: {  	v3 =	vld [tilespmem:s1+$0xFFFFFF40];
	_ =	sdelay $0x4  }
0x110: {  	v51 =	vshll.u32 v3, $0x2  }
0x111: {  	v3 =	vand.u32 $0x7, v3;
	v4 =	vand.u32 $0xFFFFFFE0, v51  }
0x112: {  	v3 =	vor.u32 v3, v4  }
0x113: {  	v4 =	vperm.xlane v3, v0;
	_ =	sdelay $0x1  }
0x114: {  	v4 =	vadd.s32 v1, v4;
	_ =	sdelay $0x1  }
0x115: {  	v3 =	vperm.xlane v3, v2;
	_ =	sdelay $0x1  }
0x116: {  	s6 =	simm.s32 $0x2A00;
	v3 =	vadd.s32 v1, v3  }
0x117: {  	[tilespmem:s6], [sflag:$0x1] =	stream.indirect_vreg.gather [hbm4b:s2+s3], $0x80, v4, vm0, $0xb8;
	[tilespmem:$0x1CA00] =	vst v63  }
0x118: {  	s11 =	simm.s32 $0x3200  }
0x119: {  	[tilespmem:s11], [sflag:$0x1] =	stream.indirect_vreg.gather [hbm4b:s5+s3], $0x80, v4, vm0, $0xb8;
	[tilespmem:$0x1CA00] =	vst v63  }
0x11a: {  	s13 =	simm.s32 $0x3A00  }
0x11b: {  	[tilespmem:s13], [sflag:$0x1] =	stream.indirect_vreg.gather [hbm4b:s2+s3], $0x80, v3, vm0, $0xb8;
	[tilespmem:$0x1CA00] =	vst v63  }
0x11c: {  	s26 =	simm.s32 $0x4200  }
0x11d: {  	[tilespmem:s26], [sflag:$0x1] =	stream.indirect_vreg.gather [hbm4b:s5+s3], $0x80, v3, vm0, $0xb8;
	[tilespmem:$0x1CA00] =	vst v63  }
0x11e: {  	v3 =	vld [tilespmem:s1+$0xFFFFFF50];
	_ =	sdelay $0x4  }
0x11f: {  	v52 =	vshll.u32 v3, $0x2  }
0x120: {  	v3 =	vand.u32 $0x7, v3;
	v4 =	vand.u32 $0xFFFFFFE0, v52  }
0x121: {  	v3 =	vor.u32 v3, v4  }
0x122: {  	v4 =	vperm.xlane v3, v0;
	_ =	sdelay $0x1  }
0x123: {  	v4 =	vadd.s32 v1, v4;
	_ =	sdelay $0x1  }
0x124: {  	v3 =	vperm.xlane v3, v2;
	_ =	sdelay $0x1  }
0x125: {  	v3 =	vadd.s32 v1, v3  }
0x126: {  	[tilespmem:s15], [sflag:$0x1] =	stream.indirect_vreg.gather [hbm4b:s2+s3], $0x80, v4, vm0, $0xb8;
	[tilespmem:$0x1CA00] =	vst v63  }
0x127: {  	s6 =	simm.s32 $0x5200  }
0x128: {  	[tilespmem:s6], [sflag:$0x1] =	stream.indirect_vreg.gather [hbm4b:s5+s3], $0x80, v4, vm0, $0xb8;
	[tilespmem:$0x1CA00] =	vst v63  }
0x129: {  	s18 =	simm.s32 $0x5A00  }
0x12a: {  	[tilespmem:s18], [sflag:$0x1] =	stream.indirect_vreg.gather [hbm4b:s2+s3], $0x80, v3, vm0, $0xb8;
	[tilespmem:$0x1CA00] =	vst v63  }
0x12b: {  	s11 =	simm.s32 $0x6200  }
0x12c: {  	[tilespmem:s11], [sflag:$0x1] =	stream.indirect_vreg.gather [hbm4b:s5+s3], $0x80, v3, vm0, $0xb8;
	[tilespmem:$0x1CA00] =	vst v63  }
0x12d: {  	v3 =	vld [tilespmem:s1+$0xFFFFFF60];
	_ =	sdelay $0x4  }
0x12e: {  	v53 =	vshll.u32 v3, $0x2  }
0x12f: {  	v3 =	vand.u32 $0x7, v3;
	v4 =	vand.u32 $0xFFFFFFE0, v53  }
0x130: {  	v3 =	vor.u32 v3, v4  }
0x131: {  	v4 =	vperm.xlane v3, v0;
	_ =	sdelay $0x1  }
0x132: {  	v4 =	vadd.s32 v1, v4;
	_ =	sdelay $0x1  }
0x133: {  	v3 =	vperm.xlane v3, v2;
	_ =	sdelay $0x1  }
0x134: {  	v3 =	vadd.s32 v1, v3  }
0x135: {  	[tilespmem:s9], [sflag:$0x1] =	stream.indirect_vreg.gather [hbm4b:s2+s3], $0x80, v4, vm0, $0xb8;
	[tilespmem:$0x1CA00] =	vst v63  }
0x136: {  	s13 =	simm.s32 $0x7200  }
0x137: {  	[tilespmem:s13], [sflag:$0x1] =	stream.indirect_vreg.gather [hbm4b:s5+s3], $0x80, v4, vm0, $0xb8;
	[tilespmem:$0x1CA00] =	vst v63  }
0x138: {  	s26 =	simm.s32 $0x7A00  }
0x139: {  	[tilespmem:s26], [sflag:$0x1] =	stream.indirect_vreg.gather [hbm4b:s2+s3], $0x80, v3, vm0, $0xb8;
	[tilespmem:$0x1CA00] =	vst v63  }
0x13a: {  	s6 =	simm.s32 $0x8200  }
0x13b: {  	[tilespmem:s6], [sflag:$0x1] =	stream.indirect_vreg.gather [hbm4b:s5+s3], $0x80, v3, vm0, $0xb8;
	[tilespmem:$0x1CA00] =	vst v63  }
0x13c: {  	_ =	swait.ge [sflag:s21], $0x4000  }
0x13d: {  	[sflag:s21] =	ssyncset.done $0x0  }
0x13e: {  	[sflag:s21] =	ssyncadd.s32 $0xFFFFC000  }
0x13f: {  	_ =	swait.ge [sflag:s21], $0x4000  }
0x140: {  	s11 =	rddreg [dreg:$0x5];
	[sflag:s21] =	ssyncset.done $0x0  }
0x141: {  	[sflag:s21] =	ssyncadd.s32 $0xFFFFC000;
	s4 =	sadd.s32 s0, s11;
	s11 =	simm.s32 $0x8A00  }
0x142: {  	[hbm4b:s4+s17] =	stream.strided.scatter [tilespmem:s11], [sflag:$0x7], $0x8000, s19, s17, $0x38;
	[tilespmem:$0x1CA00] =	vst v63  }
0x143: {  	_ =	swait.ge [sflag:s22], $0x8000  }
0x144: {  	[sflag:s22] =	ssyncset.done $0x0  }
0x145: {  	[sflag:s22] =	ssyncadd.s32 $0xFFFF8000  }
0x146: {  	v3 =	vld [tilespmem:s1+$0xFFFFFF70];
	_ =	sdelay $0x4  }
0x147: {  	v54 =	vshll.u32 v3, $0x2  }
0x148: {  	v3 =	vand.u32 $0x7, v3;
	v4 =	vand.u32 $0xFFFFFFE0, v54  }
0x149: {  	v3 =	vor.u32 v3, v4  }
0x14a: {  	v4 =	vperm.xlane v3, v0;
	_ =	sdelay $0x1  }
0x14b: {  	v4 =	vadd.s32 v1, v4;
	_ =	sdelay $0x1  }
0x14c: {  	v3 =	vperm.xlane v3, v2;
	_ =	sdelay $0x1  }
0x14d: {  	v3 =	vadd.s32 v1, v3  }
0x14e: {  	[tilespmem:s11], [sflag:$0x2] =	stream.indirect_vreg.gather [hbm4b:s2+s3], $0x80, v4, vm0, $0xb8;
	[tilespmem:$0x1CA00] =	vst v63  }
0x14f: {  	s13 =	simm.s32 $0x9200  }
0x150: {  	[tilespmem:s13], [sflag:$0x2] =	stream.indirect_vreg.gather [hbm4b:s5+s3], $0x80, v4, vm0, $0xb8;
	[tilespmem:$0x1CA00] =	vst v63  }
0x151: {  	s26 =	simm.s32 $0x9A00  }
0x152: {  	[tilespmem:s26], [sflag:$0x2] =	stream.indirect_vreg.gather [hbm4b:s2+s3], $0x80, v3, vm0, $0xb8;
	[tilespmem:$0x1CA00] =	vst v63  }
0x153: {  	s11 =	simm.s32 $0xA200  }
0x154: {  	[tilespmem:s11], [sflag:$0x2] =	stream.indirect_vreg.gather [hbm4b:s5+s3], $0x80, v3, vm0, $0xb8;
	[tilespmem:$0x1CA00] =	vst v63  }
0x155: {  	v3 =	vld [tilespmem:s1+$0xFFFFFF80];
	_ =	sdelay $0x4  }
0x156: {  	v55 =	vshll.u32 v3, $0x2  }
0x157: {  	v3 =	vand.u32 $0x7, v3;
	v4 =	vand.u32 $0xFFFFFFE0, v55  }
0x158: {  	v3 =	vor.u32 v3, v4  }
0x159: {  	v4 =	vperm.xlane v3, v0;
	_ =	sdelay $0x1  }
0x15a: {  	v4 =	vadd.s32 v1, v4;
	_ =	sdelay $0x1  }
0x15b: {  	v3 =	vperm.xlane v3, v2;
	_ =	sdelay $0x1  }
0x15c: {  	s13 =	simm.s32 $0xAA00;
	v3 =	vadd.s32 v1, v3  }
0x15d: {  	[tilespmem:s13], [sflag:$0x2] =	stream.indirect_vreg.gather [hbm4b:s2+s3], $0x80, v4, vm0, $0xb8;
	[tilespmem:$0x1CA00] =	vst v63  }
0x15e: {  	s26 =	simm.s32 $0xB200  }
0x15f: {  	[tilespmem:s26], [sflag:$0x2] =	stream.indirect_vreg.gather [hbm4b:s5+s3], $0x80, v4, vm0, $0xb8;
	[tilespmem:$0x1CA00] =	vst v63  }
0x160: {  	s11 =	simm.s32 $0xBA00  }
0x161: {  	[tilespmem:s11], [sflag:$0x2] =	stream.indirect_vreg.gather [hbm4b:s2+s3], $0x80, v3, vm0, $0xb8;
	[tilespmem:$0x1CA00] =	vst v63  }
0x162: {  	s13 =	simm.s32 $0xC200  }
0x163: {  	[tilespmem:s13], [sflag:$0x2] =	stream.indirect_vreg.gather [hbm4b:s5+s3], $0x80, v3, vm0, $0xb8;
	[tilespmem:$0x1CA00] =	vst v63  }
0x164: {  	v3 =	vld [tilespmem:s1+$0xFFFFFF90];
	_ =	sdelay $0x4  }
0x165: {  	v56 =	vshll.u32 v3, $0x2  }
0x166: {  	v3 =	vand.u32 $0x7, v3;
	v4 =	vand.u32 $0xFFFFFFE0, v56  }
0x167: {  	v3 =	vor.u32 v3, v4  }
0x168: {  	v4 =	vperm.xlane v3, v0;
	_ =	sdelay $0x1  }
0x169: {  	v4 =	vadd.s32 v1, v4;
	_ =	sdelay $0x1  }
0x16a: {  	v3 =	vperm.xlane v3, v2;
	_ =	sdelay $0x1  }
0x16b: {  	s26 =	simm.s32 $0xCA00;
	v3 =	vadd.s32 v1, v3  }
0x16c: {  	[tilespmem:s26], [sflag:$0x2] =	stream.indirect_vreg.gather [hbm4b:s2+s3], $0x80, v4, vm0, $0xb8;
	[tilespmem:$0x1CA00] =	vst v63  }
0x16d: {  	s11 =	simm.s32 $0xD200  }
0x16e: {  	[tilespmem:s11], [sflag:$0x2] =	stream.indirect_vreg.gather [hbm4b:s5+s3], $0x80, v4, vm0, $0xb8;
	[tilespmem:$0x1CA00] =	vst v63  }
0x16f: {  	s13 =	simm.s32 $0xDA00  }
0x170: {  	[tilespmem:s13], [sflag:$0x2] =	stream.indirect_vreg.gather [hbm4b:s2+s3], $0x80, v3, vm0, $0xb8;
	[tilespmem:$0x1CA00] =	vst v63  }
0x171: {  	s26 =	simm.s32 $0xE200  }
0x172: {  	[tilespmem:s26], [sflag:$0x2] =	stream.indirect_vreg.gather [hbm4b:s5+s3], $0x80, v3, vm0, $0xb8;
	[tilespmem:$0x1CA00] =	vst v63  }
0x173: {  	v3 =	vld [tilespmem:s1+$0xFFFFFFA0];
	_ =	sdelay $0x4  }
0x174: {  	v57 =	vshll.u32 v3, $0x2  }
0x175: {  	v3 =	vand.u32 $0x7, v3;
	v4 =	vand.u32 $0xFFFFFFE0, v57  }
0x176: {  	v3 =	vor.u32 v3, v4  }
0x177: {  	v4 =	vperm.xlane v3, v0;
	_ =	sdelay $0x1  }
0x178: {  	v4 =	vadd.s32 v1, v4;
	_ =	sdelay $0x1  }
0x179: {  	v3 =	vperm.xlane v3, v2;
	_ =	sdelay $0x1  }
0x17a: {  	s11 =	simm.s32 $0xEA00;
	v3 =	vadd.s32 v1, v3  }
0x17b: {  	[tilespmem:s11], [sflag:$0x2] =	stream.indirect_vreg.gather [hbm4b:s2+s3], $0x80, v4, vm0, $0xb8;
	[tilespmem:$0x1CA00] =	vst v63  }
0x17c: {  	s13 =	simm.s32 $0xF200  }
0x17d: {  	[tilespmem:s13], [sflag:$0x2] =	stream.indirect_vreg.gather [hbm4b:s5+s3], $0x80, v4, vm0, $0xb8;
	[tilespmem:$0x1CA00] =	vst v63  }
0x17e: {  	s26 =	simm.s32 $0xFA00  }
0x17f: {  	[tilespmem:s26], [sflag:$0x2] =	stream.indirect_vreg.gather [hbm4b:s2+s3], $0x80, v3, vm0, $0xb8;
	[tilespmem:$0x1CA00] =	vst v63  }
0x180: {  	s11 =	simm.s32 $0x10200  }
0x181: {  	[tilespmem:s11], [sflag:$0x2] =	stream.indirect_vreg.gather [hbm4b:s5+s3], $0x80, v3, vm0, $0xb8;
	[tilespmem:$0x1CA00] =	vst v63  }
0x182: {  	_ =	swait.ge [sflag:s23], $0x4000  }
0x183: {  	s13 =	rddreg [dreg:$0x6];
	[sflag:s23] =	ssyncset.done $0x0  }
0x184: {  	[sflag:s23] =	ssyncadd.s32 $0xFFFFC000;
	s4 =	sadd.s32 s0, s13;
	s13 =	simm.s32 $0x10A00  }
0x185: {  	[hbm4b:s4+s3] =	stream.linear.scatter [tilespmem:s13], [sflag:$0x8], $0x4000, $0x38;
	[tilespmem:$0x1CA00] =	vst v63  }
0x186: {  	_ =	swait.ge [sflag:s24], $0x4000  }
0x187: {  	[sflag:s24] =	ssyncset.done $0x0  }
0x188: {  	[sflag:s24] =	ssyncadd.s32 $0xFFFFC000  }
0x189: {  	v3 =	vld [tilespmem:s1+$0xFFFFFFB0];
	_ =	sdelay $0x4  }
0x18a: {  	v58 =	vshll.u32 v3, $0x2  }
0x18b: {  	v3 =	vand.u32 $0x7, v3;
	v4 =	vand.u32 $0xFFFFFFE0, v58  }
0x18c: {  	v3 =	vor.u32 v3, v4  }
0x18d: {  	v4 =	vperm.xlane v3, v0;
	_ =	sdelay $0x1  }
0x18e: {  	v4 =	vadd.s32 v1, v4;
	_ =	sdelay $0x1  }
0x18f: {  	v3 =	vperm.xlane v3, v2;
	_ =	sdelay $0x1  }
0x190: {  	v3 =	vadd.s32 v1, v3  }
0x191: {  	[tilespmem:s13], [sflag:$0x3] =	stream.indirect_vreg.gather [hbm4b:s2+s3], $0x80, v4, vm0, $0xb8;
	[tilespmem:$0x1CA00] =	vst v63  }
0x192: {  	s26 =	simm.s32 $0x11200  }
0x193: {  	[tilespmem:s26], [sflag:$0x3] =	stream.indirect_vreg.gather [hbm4b:s5+s3], $0x80, v4, vm0, $0xb8;
	[tilespmem:$0x1CA00] =	vst v63  }
0x194: {  	s13 =	simm.s32 $0x11A00  }
0x195: {  	[tilespmem:s13], [sflag:$0x3] =	stream.indirect_vreg.gather [hbm4b:s2+s3], $0x80, v3, vm0, $0xb8;
	[tilespmem:$0x1CA00] =	vst v63  }
0x196: {  	s26 =	simm.s32 $0x12200  }
0x197: {  	[tilespmem:s26], [sflag:$0x3] =	stream.indirect_vreg.gather [hbm4b:s5+s3], $0x80, v3, vm0, $0xb8;
	[tilespmem:$0x1CA00] =	vst v63  }
0x198: {  	v3 =	vld [tilespmem:s1+$0xFFFFFFC0];
	_ =	sdelay $0x4  }
0x199: {  	v59 =	vshll.u32 v3, $0x2  }
0x19a: {  	v3 =	vand.u32 $0x7, v3;
	v4 =	vand.u32 $0xFFFFFFE0, v59  }
0x19b: {  	v3 =	vor.u32 v3, v4  }
0x19c: {  	v4 =	vperm.xlane v3, v0;
	_ =	sdelay $0x1  }
0x19d: {  	v4 =	vadd.s32 v1, v4;
	_ =	sdelay $0x1  }
0x19e: {  	v3 =	vperm.xlane v3, v2;
	_ =	sdelay $0x1  }
0x19f: {  	s13 =	simm.s32 $0x12A00;
	v3 =	vadd.s32 v1, v3  }
0x1a0: {  	[tilespmem:s13], [sflag:$0x3] =	stream.indirect_vreg.gather [hbm4b:s2+s3], $0x80, v4, vm0, $0xb8;
	[tilespmem:$0x1CA00] =	vst v63  }
0x1a1: {  	s26 =	simm.s32 $0x13200  }
0x1a2: {  	[tilespmem:s26], [sflag:$0x3] =	stream.indirect_vreg.gather [hbm4b:s5+s3], $0x80, v4, vm0, $0xb8;
	[tilespmem:$0x1CA00] =	vst v63  }
0x1a3: {  	s13 =	simm.s32 $0x13A00  }
0x1a4: {  	[tilespmem:s13], [sflag:$0x3] =	stream.indirect_vreg.gather [hbm4b:s2+s3], $0x80, v3, vm0, $0xb8;
	[tilespmem:$0x1CA00] =	vst v63  }
0x1a5: {  	s26 =	simm.s32 $0x14200  }
0x1a6: {  	[tilespmem:s26], [sflag:$0x3] =	stream.indirect_vreg.gather [hbm4b:s5+s3], $0x80, v3, vm0, $0xb8;
	[tilespmem:$0x1CA00] =	vst v63  }
0x1a7: {  	_ =	swait.ge [sflag:s25], $0x4000  }
0x1a8: {  	s13 =	rddreg [dreg:$0x7];
	[sflag:s25] =	ssyncset.done $0x0  }
0x1a9: {  	s26 =	simm.s32 $0x14A00;
	[sflag:s25] =	ssyncadd.s32 $0xFFFFC000;
	s4 =	sadd.s32 s0, s13  }
0x1aa: {  	[hbm4b:s4+s3] =	stream.linear.scatter [tilespmem:s26], [sflag:$0x9], $0x4000, $0x38;
	[tilespmem:$0x1CA00] =	vst v63  }
0x1ab: {  	_ =	swait.ge [sflag:s28], $0x4000  }
0x1ac: {  	[sflag:s28] =	ssyncset.done $0x0  }
0x1ad: {  	[sflag:s28] =	ssyncadd.s32 $0xFFFFC000  }
0x1ae: {  	v3 =	vld [tilespmem:s1+$0xFFFFFFD0];
	_ =	sdelay $0x4  }
0x1af: {  	v60 =	vshll.u32 v3, $0x2  }
0x1b0: {  	v3 =	vand.u32 $0x7, v3;
	v4 =	vand.u32 $0xFFFFFFE0, v60  }
0x1b1: {  	v3 =	vor.u32 v3, v4  }
0x1b2: {  	v4 =	vperm.xlane v3, v0;
	_ =	sdelay $0x1  }
0x1b3: {  	v4 =	vadd.s32 v1, v4;
	_ =	sdelay $0x1  }
0x1b4: {  	v3 =	vperm.xlane v3, v2;
	_ =	sdelay $0x1  }
0x1b5: {  	v3 =	vadd.s32 v1, v3  }
0x1b6: {  	[tilespmem:s26], [sflag:$0x4] =	stream.indirect_vreg.gather [hbm4b:s2+s3], $0x80, v4, vm0, $0xb8;
	[tilespmem:$0x1CA00] =	vst v63  }
0x1b7: {  	s26 =	simm.s32 $0x15200  }
0x1b8: {  	[tilespmem:s26], [sflag:$0x4] =	stream.indirect_vreg.gather [hbm4b:s5+s3], $0x80, v4, vm0, $0xb8;
	[tilespmem:$0x1CA00] =	vst v63  }
0x1b9: {  	s26 =	simm.s32 $0x15A00  }
0x1ba: {  	[tilespmem:s26], [sflag:$0x4] =	stream.indirect_vreg.gather [hbm4b:s2+s3], $0x80, v3, vm0, $0xb8;
	[tilespmem:$0x1CA00] =	vst v63  }
0x1bb: {  	s26 =	simm.s32 $0x16200  }
0x1bc: {  	[tilespmem:s26], [sflag:$0x4] =	stream.indirect_vreg.gather [hbm4b:s5+s3], $0x80, v3, vm0, $0xb8;
	[tilespmem:$0x1CA00] =	vst v63  }
0x1bd: {  	v3 =	vld [tilespmem:s1+$0xFFFFFFE0];
	_ =	sdelay $0x4  }
0x1be: {  	v61 =	vshll.u32 v3, $0x2  }
0x1bf: {  	v3 =	vand.u32 $0x7, v3;
	v4 =	vand.u32 $0xFFFFFFE0, v61  }
0x1c0: {  	v3 =	vor.u32 v3, v4  }
0x1c1: {  	v4 =	vperm.xlane v3, v0;
	_ =	sdelay $0x1  }
0x1c2: {  	v4 =	vadd.s32 v1, v4;
	_ =	sdelay $0x1  }
0x1c3: {  	v3 =	vperm.xlane v3, v2;
	_ =	sdelay $0x1  }
0x1c4: {  	s26 =	simm.s32 $0x16A00;
	v3 =	vadd.s32 v1, v3  }
0x1c5: {  	[tilespmem:s26], [sflag:$0x4] =	stream.indirect_vreg.gather [hbm4b:s2+s3], $0x80, v4, vm0, $0xb8;
	[tilespmem:$0x1CA00] =	vst v63  }
0x1c6: {  	s26 =	simm.s32 $0x17200  }
0x1c7: {  	[tilespmem:s26], [sflag:$0x4] =	stream.indirect_vreg.gather [hbm4b:s5+s3], $0x80, v4, vm0, $0xb8;
	[tilespmem:$0x1CA00] =	vst v63  }
0x1c8: {  	s26 =	simm.s32 $0x17A00  }
0x1c9: {  	[tilespmem:s26], [sflag:$0x4] =	stream.indirect_vreg.gather [hbm4b:s2+s3], $0x80, v3, vm0, $0xb8;
	[tilespmem:$0x1CA00] =	vst v63  }
0x1ca: {  	s26 =	simm.s32 $0x18200  }
0x1cb: {  	[tilespmem:s26], [sflag:$0x4] =	stream.indirect_vreg.gather [hbm4b:s5+s3], $0x80, v3, vm0, $0xb8;
	[tilespmem:$0x1CA00] =	vst v63  }
0x1cc: {  	_ =	swait.ge [sflag:s29], $0x4000  }
0x1cd: {  	s26 =	rddreg [dreg:$0x8];
	[sflag:s29] =	ssyncset.done $0x0  }
0x1ce: {  	[sflag:s29] =	ssyncadd.s32 $0xFFFFC000;
	s4 =	sadd.s32 s0, s26  }
0x1cf: {  	[hbm4b:s4+s3] =	stream.linear.scatter [tilespmem:s7], [sflag:$0xA], $0x4000, $0x38;
	[tilespmem:$0x1CA00] =	vst v63  }
0x1d0: {  	_ =	swait.ge [sflag:s31], $0x4000  }
0x1d1: {  	[sflag:s31] =	ssyncset.done $0x0  }
0x1d2: {  	[sflag:s31] =	ssyncadd.s32 $0xFFFFC000  }
0x1d3: {  	v3 =	vld [tilespmem:s1+$0xFFFFFFF0];
	_ =	sdelay $0x4  }
0x1d4: {  	v62 =	vshll.u32 v3, $0x2  }
0x1d5: {  	v3 =	vand.u32 $0x7, v3;
	v4 =	vand.u32 $0xFFFFFFE0, v62  }
0x1d6: {  	v3 =	vor.u32 v3, v4  }
0x1d7: {  	v4 =	vperm.xlane v3, v0;
	_ =	sdelay $0x1  }
0x1d8: {  	v4 =	vadd.s32 v1, v4;
	_ =	sdelay $0x1  }
0x1d9: {  	v3 =	vperm.xlane v3, v2;
	_ =	sdelay $0x1  }
0x1da: {  	v3 =	vadd.s32 v1, v3  }
0x1db: {  	[tilespmem:s7], [sflag:$0x5] =	stream.indirect_vreg.gather [hbm4b:s2+s3], $0x80, v4, vm0, $0xb8;
	[tilespmem:$0x1CA00] =	vst v63  }
0x1dc: {  	s26 =	simm.s32 $0x19200  }
0x1dd: {  	[tilespmem:s26], [sflag:$0x5] =	stream.indirect_vreg.gather [hbm4b:s5+s3], $0x80, v4, vm0, $0xb8;
	[tilespmem:$0x1CA00] =	vst v63  }
0x1de: {  	s26 =	simm.s32 $0x19A00  }
0x1df: {  	[tilespmem:s26], [sflag:$0x5] =	stream.indirect_vreg.gather [hbm4b:s2+s3], $0x80, v3, vm0, $0xb8;
	[tilespmem:$0x1CA00] =	vst v63  }
0x1e0: {  	s26 =	simm.s32 $0x1A200  }
0x1e1: {  	[tilespmem:s26], [sflag:$0x5] =	stream.indirect_vreg.gather [hbm4b:s5+s3], $0x80, v3, vm0, $0xb8;
	[tilespmem:$0x1CA00] =	vst v63  }
0x1e2: {  	v3 =	vld [tilespmem:s1+$0x0];
	_ =	sdelay $0x4  }
0x1e3: {  	v63 =	vshll.u32 v3, $0x2  }
0x1e4: {  	v3 =	vand.u32 $0x7, v3;
	v4 =	vand.u32 $0xFFFFFFE0, v63  }
0x1e5: {  	v3 =	vor.u32 v3, v4  }
0x1e6: {  	v4 =	vperm.xlane v3, v0;
	_ =	sdelay $0x1  }
0x1e7: {  	v4 =	vadd.s32 v1, v4;
	_ =	sdelay $0x2  }
0x1e8: {  	v3 =	vperm.xlane v3, v2;
	_ =	sdelay $0x1  }
0x1e9: {  	v3 =	vadd.s32 v1, v3;
	[tilespmem:s14], [sflag:$0x5] =	stream.indirect_vreg.gather [hbm4b:s2+s3], $0x80, v4, vm0, $0xb8;
	[tilespmem:$0x1CA00] =	vst v63  }
0x1ea: {  	p0 =	sne.s32 s0, $0x3F0000  }
0x1eb: {  	[tilespmem:s10], [sflag:$0x5] =	stream.indirect_vreg.gather [hbm4b:s5+s3], $0x80, v4, vm0, $0xb8;
	[tilespmem:$0x1CA00] =	vst v63  }
.Ltmp0:
0x1ec: {  	_ = 	snop;
	(pc) =	sbr.rel @p0 .LBB2_2-.Ltmp0, $4  }
0x1ed: {  	s30 =	simm.s32 $0xA00;
	s6 =	simm.s32 $0x8A00;
	s11 =	simm.s32 $0x10A00  }
0x1ee: {  	[tilespmem:s8], [sflag:$0x5] =	stream.indirect_vreg.gather [hbm4b:s2+s3], $0x80, v3, vm0, $0xb8;
	[tilespmem:$0x1CA00] =	vst v63  }
0x1ef: {  	s13 =	simm.s32 $0x14A00;
	s0 =	sadd.s32 $0x70000, s0;
	s1 =	sadd.s32 $0xE0, s1  }
0x1f0: {  	[tilespmem:s12], [sflag:$0x5] =	stream.indirect_vreg.gather [hbm4b:s5+s3], $0x80, v3, vm0, $0xb8;
	[tilespmem:$0x1CA00] =	vst v63  }
0x1f1: {  	_ =	swait.ge [sflag:s16], $0x4000  }
0x1f2: {  	[sflag:s16] =	ssyncset.done $0x0  }
0x1f3: {  	[sflag:s16] =	ssyncadd.s32 $0xFFFFC000  }
0x1f4: {  	_ =	swait.ge [sflag:s16], $0x4000  }
0x1f5: {  	[sflag:s16] =	ssyncset.done $0x0  }
0x1f6: {  	s0 =	rddreg [dreg:$0xa];
	[sflag:s16] =	ssyncadd.s32 $0xFFFFC000  }
0x1f7: {  	[hbm4b:s0+s17] =	stream.strided.scatter [tilespmem:s30], [sflag:$0x6], $0x8000, s19, s17, $0x38;
	[tilespmem:$0x1CA00] =	vst v63  }
0x1f8: {  	_ =	swait.ge [sflag:s21], $0x4000  }
0x1f9: {  	[sflag:s21] =	ssyncset.done $0x0  }
0x1fa: {  	[sflag:s21] =	ssyncadd.s32 $0xFFFFC000  }
0x1fb: {  	_ =	swait.ge [sflag:s21], $0x4000  }
0x1fc: {  	[sflag:s21] =	ssyncset.done $0x0  }
0x1fd: {  	s10 =	rddreg [dreg:$0xb];
	[sflag:s21] =	ssyncadd.s32 $0xFFFFC000  }
0x1fe: {  	[hbm4b:s10+s17] =	stream.strided.scatter [tilespmem:s6], [sflag:$0x7], $0x8000, s19, s17, $0x38;
	[tilespmem:$0x1CA00] =	vst v63  }
0x1ff: {  	_ =	swait.ge [sflag:s23], $0x4000  }
0x200: {  	[sflag:s23] =	ssyncset.done $0x0  }
0x201: {  	s12 =	rddreg [dreg:$0xc];
	[sflag:s23] =	ssyncadd.s32 $0xFFFFC000  }
0x202: {  	[hbm4b:s12+s3] =	stream.linear.scatter [tilespmem:s11], [sflag:$0x8], $0x4000, $0x38;
	[tilespmem:$0x1CA00] =	vst v63  }
0x203: {  	_ =	swait.ge [sflag:s25], $0x4000  }
0x204: {  	[sflag:s25] =	ssyncset.done $0x0  }
0x205: {  	s14 =	rddreg [dreg:$0xd];
	[sflag:s25] =	ssyncadd.s32 $0xFFFFC000  }
0x206: {  	[hbm4b:s14+s3] =	stream.linear.scatter [tilespmem:s13], [sflag:$0x9], $0x4000, $0x38;
	[tilespmem:$0x1CA00] =	vst v63  }
0x207: {  	_ =	swait.ge [sflag:s29], $0x4000  }
0x208: {  	[sflag:s29] =	ssyncset.done $0x0  }
0x209: {  	s15 =	rddreg [dreg:$0xe];
	[sflag:s29] =	ssyncadd.s32 $0xFFFFC000  }
0x20a: {  	[hbm4b:s15+s3] =	stream.linear.scatter [tilespmem:s7], [sflag:$0xA], $0x4000, $0x38;
	[tilespmem:$0x1CA00] =	vst v63  }
0x20b: {  	_ =	swait.ge [sflag:s20], $0x8000  }
0x20c: {  	[sflag:s20] =	ssyncset.done $0x0  }
0x20d: {  	[sflag:s20] =	ssyncadd.s32 $0xFFFF8000  }
0x20e: {  	_ =	swait.ge [sflag:s22], $0x8000  }
0x20f: {  	[sflag:s22] =	ssyncset.done $0x0  }
0x210: {  	[sflag:s22] =	ssyncadd.s32 $0xFFFF8000  }
0x211: {  	_ =	swait.ge [sflag:s24], $0x4000  }
0x212: {  	[sflag:s24] =	ssyncset.done $0x0  }
0x213: {  	[sflag:s24] =	ssyncadd.s32 $0xFFFFC000  }
0x214: {  	_ =	swait.ge [sflag:s28], $0x4000  }
0x215: {  	[sflag:s28] =	ssyncset.done $0x0  }
0x216: {  	[sflag:s28] =	ssyncadd.s32 $0xFFFFC000  }
0x217: {  	_ =	swait.ge [sflag:s31], $0x4000  }
0x218: {  	s1 =	rddreg [dreg:$0x10]  }
0x219: {  	s26 =	rddreg [dreg:$0xf];
	s1 =	sadd.s32 $0x1, s1  }
0x21a: {  	p0 =	sne.s32 s1, s26  }
.Ltmp1:
0x21b: {  	_ = 	snop;
	(pc) =	sbr.rel @p0 .LBB2_1-.Ltmp1, $4  }
0x21c: {  	s4 =	simm.s32 $0x1A00;
	s8 =	simm.s32 $0x2A00;
	s9 =	simm.s32 $0x3200  }
0x21d: {  	s10 =	simm.s32 $0x3A00;
	s12 =	simm.s32 $0x4A00;
	[sflag:s31] =	ssyncset.done $0x0  }
0x21e: {  	s14 =	simm.s32 $0x6200;
	s15 =	simm.s32 $0x2200;
	[sflag:s31] =	ssyncadd.s32 $0xFFFFC000  }
0x21f: {  	[dreg:$0x10] =	wrdreg s1;
	s1 =	simm.s32 $0x1200;
	s26 =	simm.s32 $0x4200  }
0x220: {  	_ =	sfence.sel $0x180000  }
0x221: {  	[bflag:$0x0] =	sbarrier.arrive $0xFFFF  }
0x222: {  	_ =	strace $0x90000047  }
0x223: {  	s0 =	stileid.u32;
	[bflag:$0x2] =	sbarrier.arrive $0xFFFF  }
0x224: {  	p0 =	sne.s32 s0, $0x0;
	s0 =	rddreg [dreg:$0x3]  }
0x225: {  	s0 =	sadd.s32 @!p0 $0x100000, s0  }
0x226: {  	[sflag:s0] =	ssyncadd.tile.s32 @!p0 $0x1;
	_ =	shalt  }
.Lfunc_end2:
_tile_overlayer_lowered:
.L_overlay_start_2:
0x227: {  	(tag) =	ssettag $0x2  }
0x228: {  	s0 =	rddreg [dreg:$0x0];
	s2 =	stileid.u32  }
0x229: {  	s1 =	rddreg [dreg:$0x1];
	p0 =	sne.s32 s2, $0x0  }
0x22a: {  	s3 =	rddreg [dreg:$0x2];
	[bflag:$0x3] =	sbarrier.arrive $0xFFFF;
	s2 =	simm.s32 @!p0 $0x1C0B  }
0x22b: {  	[timem:s3], [sflag:s2] =	dma.local @!p0 [hbm:s0], s1  }
0x22c: {  	s0 =	simm.s32 @!p0 $0xB  }
0x22d: {  	_ =	swait.ge @!p0 [sflag:s0], s1  }
0x22e: {  	s1 =	ssub.s32 @!p0 $0x0, s1;
	[sflag:s0] =	ssyncset.done @!p0 $0x0  }
0x22f: {  	[sflag:s0] =	ssyncadd.s32 @!p0 s1  }
0x230: {  	[bflag:$0x3] =	sbarrier.arrive $0xFFFF  }
0x231: {  	_ =	shalt  }

</sc_bundles>
